<compile_context>
chip_gen: v7x
topology: tpu7x:2x2x1
jax: 0.10.2.dev20260603
libtpu: 0.0.44.dev20260713+nightly
codegen_flags: <defaults>
</compile_context>

<pallas_src>
import functools

import jax
import jax.numpy as jnp
from jax import lax
from jax.experimental import pallas as pl
from jax.experimental.pallas import tpu as pltpu
from jax.experimental.pallas import tpu_sc as plsc

B = 2048
D = 768
H = 3072
O = 768
E = 8
BT = 128
NB = B // BT + E - 1
NS = NB * BT
CH = 256
NW = 32
TPW = B // NW
SL = NB + E + 1


def _routing_body(x_ref, wg_ref, slot_ref, gate_ref, sched_ref):
    x = x_ref[...]
    wg = wg_ref[...]
    logits = jnp.dot(x, wg, preferred_element_type=jnp.float32)
    m = jnp.max(logits, axis=1, keepdims=True)
    gate = 1.0 / jnp.sum(jnp.exp(logits - m), axis=1, keepdims=True)
    lane = lax.broadcasted_iota(jnp.int32, (B, E), 1)
    eb = jnp.min(jnp.where(logits == m, lane, E), axis=1, keepdims=True)
    onehot = (lane == eb).astype(jnp.float32)

    row = lax.broadcasted_iota(jnp.int32, (CH, CH), 0)
    col = lax.broadcasted_iota(jnp.int32, (CH, CH), 1)
    tri = (col < row).astype(jnp.float32)
    offs = jnp.zeros((1, E), jnp.float32)
    ex_chunks = []
    for c in range(B // CH):
        oc = onehot[c * CH:(c + 1) * CH, :]
        ex_chunks.append(jnp.dot(tri, oc, preferred_element_type=jnp.float32) + offs)
        offs = offs + jnp.sum(oc, axis=0, keepdims=True)

    counts = offs.astype(jnp.int32)
    nblk = (counts + BT - 1) // BT
    nz = (counts > 0).astype(jnp.int32)
    e_i = lax.broadcasted_iota(jnp.int32, (E, E), 0)
    f_i = lax.broadcasted_iota(jnp.int32, (E, E), 1)
    u8 = (e_i < f_i).astype(jnp.float32)
    blk_start = jnp.dot(nblk.astype(jnp.float32), u8,
                        preferred_element_type=jnp.float32)
    rank_e = jnp.dot(nz.astype(jnp.float32), u8,
                     preferred_element_type=jnp.float32).astype(jnp.int32)
    pad_start = blk_start * float(BT)

    for c in range(B // CH):
        oc = onehot[c * CH:(c + 1) * CH, :]
        slotf = jnp.sum(oc * (ex_chunks[c] + pad_start), axis=1, keepdims=True)
        slot_ref[c * CH:(c + 1) * CH, :] = jnp.broadcast_to(
            slotf.astype(jnp.int32), (CH, E))

    gate_ref[...] = jnp.broadcast_to(gate, (B, 128))

    rows = lax.broadcasted_iota(jnp.int32, (SL, 1), 0)
    e_l = lax.broadcasted_iota(jnp.int32, (SL, E), 1)
    nz_l = jnp.broadcast_to(nz, (SL, E))
    start_l = jnp.broadcast_to(blk_start.astype(jnp.int32), (SL, E))
    sel = (nz_l > 0) & (start_l <= rows)
    bexp = jnp.max(jnp.where(sel, e_l, 0), axis=1, keepdims=True)
    ros = jnp.sum(((e_l < bexp) & (nz_l > 0)).astype(jnp.int32),
                  axis=1, keepdims=True)
    rank_l = jnp.broadcast_to(rank_e, (SL, E))
    uexp = jnp.sum(jnp.where((nz_l > 0) & (rank_l == rows - NB), e_l, 0),
                   axis=1, keepdims=True)
    nruns = jnp.sum(nz_l[:1], axis=1, keepdims=True)
    s = jnp.where(rows < NB, ros,
                  jnp.where(rows < NB + E, uexp,
                            jnp.broadcast_to(nruns, (SL, 1))))
    sched_ref[...] = jnp.broadcast_to(s, (SL, E))


def _routing(x, wg):
    return pl.pallas_call(
        _routing_body,
        out_shape=[
            jax.ShapeDtypeStruct((B, E), jnp.int32),
            jax.ShapeDtypeStruct((B, 128), jnp.float32),
            jax.ShapeDtypeStruct((SL, E), jnp.int32),
        ],
    )(x, wg)


@functools.lru_cache(maxsize=None)
def _sc_kernels():
    mesh = plsc.VectorSubcoreMesh(core_axis_name="c", subcore_axis_name="s",
                                  num_cores=2, num_subcores=16)

    @functools.partial(
        pl.kernel,
        out_type=[
            jax.ShapeDtypeStruct((NS, D), jnp.float32),
            jax.ShapeDtypeStruct((NS, 128), jnp.float32),
        ],
        mesh=mesh,
        scratch_types=[
            pltpu.VMEM((TPW,), jnp.int32),
            pltpu.VMEM((TPW, D), jnp.float32),
            pltpu.VMEM((TPW, 128), jnp.float32),
            pltpu.SemaphoreType.DMA,
            pltpu.SemaphoreType.DMA,
            pltpu.SemaphoreType.DMA,
        ],
    )
    def sc_scatter(x_hbm, slot_hbm, gate_hbm, xpad_hbm, gpad_hbm,
                   idx_v, rows_v, g_v, sem1, sem2, sem3):
        wid = lax.axis_index("s") * 2 + lax.axis_index("c")
        base = wid * TPW
        ld1 = pltpu.async_copy(slot_hbm.at[pl.ds(base, TPW)], idx_v, sem1)
        ld2 = pltpu.async_copy(x_hbm.at[pl.ds(base, TPW)], rows_v, sem2)
        ld3 = pltpu.async_copy(gate_hbm.at[pl.ds(base, TPW)], g_v, sem3)
        ld1.wait()
        ld2.wait()
        ld3.wait()
        cp1 = pltpu.async_copy(rows_v, xpad_hbm.at[idx_v], sem1)
        cp2 = pltpu.async_copy(g_v, gpad_hbm.at[idx_v], sem2)
        cp1.wait()
        cp2.wait()

    @functools.partial(
        pl.kernel,
        out_type=jax.ShapeDtypeStruct((B, O), jnp.float32),
        mesh=mesh,
        scratch_types=[
            pltpu.VMEM((TPW,), jnp.int32),
            pltpu.VMEM((TPW, O), jnp.float32),
            pltpu.SemaphoreType.DMA,
        ],
    )
    def sc_gather(opad_hbm, slot_hbm, out_hbm, idx_v, rows_v, sem):
        wid = lax.axis_index("s") * 2 + lax.axis_index("c")
        base = wid * TPW
        pltpu.sync_copy(slot_hbm.at[pl.ds(base, TPW)], idx_v)
        pltpu.async_copy(opad_hbm.at[idx_v], rows_v, sem).wait()
        pltpu.sync_copy(rows_v, out_hbm.at[pl.ds(base, TPW)])

    return sc_scatter, sc_gather


def _sc_scatter(x, tok_slot, gate16):
    return _sc_kernels()[0](x, tok_slot, gate16)


def _sc_gather(out_pad, tok_slot):
    return _sc_kernels()[1](out_pad, tok_slot)


_NCK = 4


def _w_copies(w1_hbm, w2_hbm, w1buf, w2buf, sems, e, slot):
    cps = []
    dck = D // _NCK
    hck = H // _NCK
    for k in range(_NCK):
        cps.append(pltpu.make_async_copy(
            w1_hbm.at[e, pl.ds(k * dck, dck)],
            w1buf.at[slot, pl.ds(k * dck, dck)], sems.at[slot, k]))
    for k in range(_NCK):
        cps.append(pltpu.make_async_copy(
            w2_hbm.at[e, pl.ds(k * hck, hck)],
            w2buf.at[slot, pl.ds(k * hck, hck)], sems.at[slot, _NCK + k]))
    return cps


def _mlp_body(s_ref, x_ref, b1_ref, b2_ref, g_ref, w1_hbm, w2_hbm, o_ref,
              w1buf, w2buf, sems):
    i = pl.program_id(0)
    r = s_ref[i]
    nruns = s_ref[NB + E]
    prev_r = s_ref[jnp.maximum(i - 1, 0)]
    first = jnp.logical_or(i == 0, r != prev_r)
    slot = lax.rem(r, 2)

    @pl.when(i == 0)
    def _():
        e0 = s_ref[NB]
        for cp in _w_copies(w1_hbm, w2_hbm, w1buf, w2buf, sems, e0, 0):
            cp.start()

        @pl.when(nruns > 1)
        def _():
            e1 = s_ref[NB + 1]
            for cp in _w_copies(w1_hbm, w2_hbm, w1buf, w2buf, sems, e1, 1):
                cp.start()

    @pl.when(first)
    def _():
        @pl.when(jnp.logical_and(r >= 1, r + 1 < nruns))
        def _():
            e_n = s_ref[NB + r + 1]
            for cp in _w_copies(w1_hbm, w2_hbm, w1buf, w2buf, sems,
                                e_n, 1 - slot):
                cp.start()

        e_r = s_ref[NB + r]
        for cp in _w_copies(w1_hbm, w2_hbm, w1buf, w2buf, sems, e_r, slot):
            cp.wait()

    xb = x_ref[...]
    h = jnp.dot(xb, w1buf[slot], preferred_element_type=jnp.float32) + b1_ref[0]
    h = jnp.maximum(h, 0.0)
    o = jnp.dot(h, w2buf[slot], preferred_element_type=jnp.float32) + b2_ref[0]
    o_ref[...] = o * g_ref[:, :1]


def _mlp(sched, x_pad, w1, b1, w2, b2, gate_pad):
    grid_spec = pltpu.PrefetchScalarGridSpec(
        num_scalar_prefetch=1,
        grid=(NB,),
        in_specs=[
            pl.BlockSpec((BT, D), lambda i, s: (i, 0)),
            pl.BlockSpec((1, 1, H), lambda i, s: (s[NB + s[i]], 0, 0)),
            pl.BlockSpec((1, 1, O), lambda i, s: (s[NB + s[i]], 0, 0)),
            pl.BlockSpec((BT, 128), lambda i, s: (i, 0)),
            pl.BlockSpec(memory_space=pl.ANY),
            pl.BlockSpec(memory_space=pl.ANY),
        ],
        out_specs=pl.BlockSpec((BT, O), lambda i, s: (i, 0)),
        scratch_shapes=[
            pltpu.VMEM((2, D, H), jnp.float32),
            pltpu.VMEM((2, H, O), jnp.float32),
            pltpu.SemaphoreType.DMA((2, 2 * _NCK)),
        ],
    )
    return pl.pallas_call(
        _mlp_body,
        grid_spec=grid_spec,
        out_shape=jax.ShapeDtypeStruct((NS, O), jnp.float32),
        compiler_params=pltpu.CompilerParams(
            vmem_limit_bytes=100 * 1024 * 1024,
        ),
    )(sched, x_pad, b1.reshape(E, 1, H), b2.reshape(E, 1, O), gate_pad,
      w1, w2)


def kernel(x, Wg, W1, b1, W2, b2):
    slot8, gate16, sched8 = _routing(x, Wg)
    tok_slot = slot8[:, 0]
    sched = sched8[:, 0]
    x_pad, gate_pad = _sc_scatter(x, tok_slot, gate16)
    out_pad = _mlp(sched, x_pad, W1, b1, W2, b2, gate_pad)
    return _sc_gather(out_pad, tok_slot)

# --- scband reference (transcript-rebuilt; emitter-appended) ---
"""Pipeline reference for scband-mixture-of-experts-19825569038698 (READ-ONLY COPY).

The authoritative reference and input builder live on the scoring server;
editing this copy changes nothing except your own understanding.
"""

import jax, jax.numpy as jnp
import numpy as np

B = 2048
D = 768
H = 3072
O = 768
E = 8
K = 1

def setup_inputs(seed: int = 0) -> dict:
    key = jax.random.key(seed)
    ks = jax.random.split(key, 6)
    x = jax.random.normal(ks[0], (B, D), dtype=jnp.float32)
    Wg = jax.random.normal(ks[1], (D, E), dtype=jnp.float32) / np.sqrt(D)
    W1 = jax.random.normal(ks[2], (E, D, H), dtype=jnp.float32) / np.sqrt(D)
    b1 = jax.random.normal(ks[3], (E, H), dtype=jnp.float32) * 0.01
    W2 = jax.random.normal(ks[4], (E, H, O), dtype=jnp.float32) / np.sqrt(H)
    b2 = jax.random.normal(ks[5], (E, O), dtype=jnp.float32) * 0.01
    return {"x": x, "Wg": Wg, "W1": W1, "b1": b1, "W2": W2, "b2": b2}

def reference(x, Wg, W1, b1, W2, b2):
    # Eval-mode forward of MixtureOfExperts (dropout = identity, no capacity drop, loss=None).
    bsz = x.shape[0]
    d_in = x.shape[1]
    n_exp = Wg.shape[1]
    d_out = W2.shape[2]
    k = K
    # TopKGating
    gates = jax.nn.softmax(x @ Wg, axis=-1)  # [B, E]
    top_k_gates, top_k_indices = jax.lax.top_k(gates, k)  # [B, K]
    top_k_gates = jax.nn.softmax(top_k_gates, axis=-1)  # computed (as in original) but unused downstream
    dispatch_mask = jax.nn.one_hot(top_k_indices, n_exp, dtype=gates.dtype)  # [B, K, E]
    combine_weights = dispatch_mask * gates[:, None, :]  # [B, K, E]
    # Expert computation: every expert runs over the full (masked) token set, as in the torch loop
    expert_inputs = jnp.broadcast_to(x[:, None, :], (bsz, k, d_in))  # [B, K, D]
    expert_outputs = jnp.zeros((bsz, k, d_out), dtype=x.dtype)
    for i in range(n_exp):
        mask_i = dispatch_mask[:, :, i][..., None]  # [B, K, 1]
        xi = (expert_inputs * mask_i).reshape(-1, d_in)  # [B*K, D]
        hi = jax.nn.relu(xi @ W1[i] + b1[i])  # [B*K, H]
        oi = hi @ W2[i] + b2[i]  # [B*K, O]
        expert_outputs = expert_outputs + oi.reshape(bsz, k, d_out) * mask_i
    # Combine: per-slot gate weight = sum over experts of combine_weights (one-hot per slot)
    slot_weights = jnp.sum(combine_weights, axis=-1, keepdims=True)  # [B, K, 1]
    output = jnp.sum(expert_outputs * slot_weights, axis=1)  # [B, O]
    return output

if __name__ == "__main__":
    import jax
    _d = setup_inputs()
    print(jax.jit(kernel)(*tuple(_d.values())))

</pallas_src>

<mosaic_0001>
#map = affine_map<(d0, d1) -> (0, 0)>
#map1 = affine_map<(d0, d1) -> (0)>
module attributes {stable_mosaic.version = 14 : i64} {
  func.func @sc_scatter(%arg0: i32, %arg1: i32, %arg2: memref<2048x768xf32, #tpu.memory_space<hbm>>, %arg3: memref<2048xi32, #tpu.memory_space<hbm>>, %arg4: memref<2048x128xf32, #tpu.memory_space<hbm>>, %arg5: memref<2944x768xf32, #tpu.memory_space<hbm>>, %arg6: memref<2944x128xf32, #tpu.memory_space<hbm>>, %arg7: memref<64xi32, #tpu.memory_space<vmem>>, %arg8: memref<64x768xf32, #tpu.memory_space<vmem>>, %arg9: memref<64x128xf32, #tpu.memory_space<vmem>>, %arg10: memref<!tpu.dma_semaphore, #tpu.memory_space<semaphore_mem>>, %arg11: memref<!tpu.dma_semaphore, #tpu.memory_space<semaphore_mem>>, %arg12: memref<!tpu.dma_semaphore, #tpu.memory_space<semaphore_mem>>) attributes {dimension_semantics = [#tpu.dimension_semantics<core_parallel>, #tpu.dimension_semantics<subcore_parallel>], iteration_bounds = array<i64: 2, 16>, scalar_prefetch = 0 : i64, scratch_operands = 6 : i64, tpu.core_type = #tpu.core_type<sc_vector_subcore>, window_params = [{transform_indices = #map}, {transform_indices = #map1}, {transform_indices = #map}, {transform_indices = #map}, {transform_indices = #map}]} {
    %mul3A = arith.constant 2 : i32
    %mul3A_0 = arith.muli %arg1, %mul3A : i32
    %add3A = arith.addi %mul3A_0, %arg0 : i32
    %mul3A_1 = arith.constant 64 : i32
    %mul3A_2 = arith.muli %add3A, %mul3A_1 : i32
    %dma_start3A = tpu.memref_slice %arg3[%mul3A_2] : memref<2048xi32, #tpu.memory_space<hbm>> -> memref<64xi32, #tpu.memory_space<hbm>>
    %dma_start3A_3 = tpu.memref_slice %arg3[%mul3A_2] : memref<2048xi32, #tpu.memory_space<hbm>> -> memref<64xi32, #tpu.memory_space<hbm>>
    tpu.enqueue_dma source(%dma_start3A_3 : memref<64xi32, #tpu.memory_space<hbm>>) target(%arg7 : memref<64xi32, #tpu.memory_space<vmem>>) target_semaphore(%arg10 : memref<!tpu.dma_semaphore, #tpu.memory_space<semaphore_mem>>)
    %dma_start3A_4 = arith.constant 0 : i32
    %dma_start3A_5 = tpu.memref_slice %arg2[%mul3A_2, %dma_start3A_4] : memref<2048x768xf32, #tpu.memory_space<hbm>> -> memref<64x768xf32, #tpu.memory_space<hbm>>
    %dma_start3A_6 = arith.constant 0 : i32
    %dma_start3A_7 = tpu.memref_slice %arg2[%mul3A_2, %dma_start3A_6] : memref<2048x768xf32, #tpu.memory_space<hbm>> -> memref<64x768xf32, #tpu.memory_space<hbm>>
    tpu.enqueue_dma source(%dma_start3A_7 : memref<64x768xf32, #tpu.memory_space<hbm>>) target(%arg8 : memref<64x768xf32, #tpu.memory_space<vmem>>) target_semaphore(%arg11 : memref<!tpu.dma_semaphore, #tpu.memory_space<semaphore_mem>>)
    %dma_start3A_8 = arith.constant 0 : i32
    %dma_start3A_9 = tpu.memref_slice %arg4[%mul3A_2, %dma_start3A_8] : memref<2048x128xf32, #tpu.memory_space<hbm>> -> memref<64x128xf32, #tpu.memory_space<hbm>>
    %dma_start3A_10 = arith.constant 0 : i32
    %dma_start3A_11 = tpu.memref_slice %arg4[%mul3A_2, %dma_start3A_10] : memref<2048x128xf32, #tpu.memory_space<hbm>> -> memref<64x128xf32, #tpu.memory_space<hbm>>
    tpu.enqueue_dma source(%dma_start3A_11 : memref<64x128xf32, #tpu.memory_space<hbm>>) target(%arg9 : memref<64x128xf32, #tpu.memory_space<vmem>>) target_semaphore(%arg12 : memref<!tpu.dma_semaphore, #tpu.memory_space<semaphore_mem>>)
    %dma_wait3A = tpu.memref_slice %arg3[%mul3A_2] : memref<2048xi32, #tpu.memory_space<hbm>> -> memref<64xi32, #tpu.memory_space<hbm>>
    %dma_wait3A_12 = tpu.memref_slice %arg3[%mul3A_2] : memref<2048xi32, #tpu.memory_space<hbm>> -> memref<64xi32, #tpu.memory_space<hbm>>
    tpu.wait_dma2 semaphore(%arg10 : memref<!tpu.dma_semaphore, #tpu.memory_space<semaphore_mem>>) src(%dma_wait3A_12 : memref<64xi32, #tpu.memory_space<hbm>>) dst(%arg7 : memref<64xi32, #tpu.memory_space<vmem>>)
    %dma_wait3A_13 = arith.constant 0 : i32
    %dma_wait3A_14 = tpu.memref_slice %arg2[%mul3A_2, %dma_wait3A_13] : memref<2048x768xf32, #tpu.memory_space<hbm>> -> memref<64x768xf32, #tpu.memory_space<hbm>>
    %dma_wait3A_15 = arith.constant 0 : i32
    %dma_wait3A_16 = tpu.memref_slice %arg2[%mul3A_2, %dma_wait3A_15] : memref<2048x768xf32, #tpu.memory_space<hbm>> -> memref<64x768xf32, #tpu.memory_space<hbm>>
    tpu.wait_dma2 semaphore(%arg11 : memref<!tpu.dma_semaphore, #tpu.memory_space<semaphore_mem>>) src(%dma_wait3A_16 : memref<64x768xf32, #tpu.memory_space<hbm>>) dst(%arg8 : memref<64x768xf32, #tpu.memory_space<vmem>>)
    %dma_wait3A_17 = arith.constant 0 : i32
    %dma_wait3A_18 = tpu.memref_slice %arg4[%mul3A_2, %dma_wait3A_17] : memref<2048x128xf32, #tpu.memory_space<hbm>> -> memref<64x128xf32, #tpu.memory_space<hbm>>
    %dma_wait3A_19 = arith.constant 0 : i32
    %dma_wait3A_20 = tpu.memref_slice %arg4[%mul3A_2, %dma_wait3A_19] : memref<2048x128xf32, #tpu.memory_space<hbm>> -> memref<64x128xf32, #tpu.memory_space<hbm>>
    tpu.wait_dma2 semaphore(%arg12 : memref<!tpu.dma_semaphore, #tpu.memory_space<semaphore_mem>>) src(%dma_wait3A_20 : memref<64x128xf32, #tpu.memory_space<hbm>>) dst(%arg9 : memref<64x128xf32, #tpu.memory_space<vmem>>)
    %dma_start3A_21 = arith.constant 0 : i32
    %dma_start3A_22 = arith.constant 0 : i32
    %dma_start3A_23 = tpu.memref_slice %arg5[%dma_start3A_21, %dma_start3A_22] : memref<2944x768xf32, #tpu.memory_space<hbm>> -> memref<2944x768xf32, #tpu.memory_space<hbm>>
    tpu.enqueue_indirect_dma source(%arg8 : memref<64x768xf32, #tpu.memory_space<vmem>>) target(%dma_start3A_23 : memref<2944x768xf32, #tpu.memory_space<hbm>>) offsets(%arg7 : memref<64xi32, #tpu.memory_space<vmem>>) semaphore(%arg10 : memref<!tpu.dma_semaphore, #tpu.memory_space<semaphore_mem>>)
    %dma_start3A_24 = arith.constant 0 : i32
    %dma_start3A_25 = arith.constant 0 : i32
    %dma_start3A_26 = tpu.memref_slice %arg6[%dma_start3A_24, %dma_start3A_25] : memref<2944x128xf32, #tpu.memory_space<hbm>> -> memref<2944x128xf32, #tpu.memory_space<hbm>>
    tpu.enqueue_indirect_dma source(%arg9 : memref<64x128xf32, #tpu.memory_space<vmem>>) target(%dma_start3A_26 : memref<2944x128xf32, #tpu.memory_space<hbm>>) offsets(%arg7 : memref<64xi32, #tpu.memory_space<vmem>>) semaphore(%arg11 : memref<!tpu.dma_semaphore, #tpu.memory_space<semaphore_mem>>)
    %dma_wait3A_27 = arith.constant 0 : i32
    %dma_wait3A_28 = arith.constant 0 : i32
    %dma_wait3A_29 = tpu.memref_slice %arg5[%dma_wait3A_27, %dma_wait3A_28] : memref<2944x768xf32, #tpu.memory_space<hbm>> -> memref<2944x768xf32, #tpu.memory_space<hbm>>
    tpu.wait_indirect_dma semaphore(%arg10 : memref<!tpu.dma_semaphore, #tpu.memory_space<semaphore_mem>>) src(%arg8 : memref<64x768xf32, #tpu.memory_space<vmem>>) dst(%dma_wait3A_29 : memref<2944x768xf32, #tpu.memory_space<hbm>>)
    %dma_wait3A_30 = arith.constant 0 : i32
    %dma_wait3A_31 = arith.constant 0 : i32
    %dma_wait3A_32 = tpu.memref_slice %arg6[%dma_wait3A_30, %dma_wait3A_31] : memref<2944x128xf32, #tpu.memory_space<hbm>> -> memref<2944x128xf32, #tpu.memory_space<hbm>>
    tpu.wait_indirect_dma semaphore(%arg11 : memref<!tpu.dma_semaphore, #tpu.memory_space<semaphore_mem>>) src(%arg9 : memref<64x128xf32, #tpu.memory_space<vmem>>) dst(%dma_wait3A_32 : memref<2944x128xf32, #tpu.memory_space<hbm>>)
    return
  }
}

#map = affine_map<(d0, d1) -> (0, 0)>
#map1 = affine_map<(d0, d1) -> (0)>
module attributes {stable_mosaic.version = 14 : i64} {
  func.func @sc_gather(%arg0: i32, %arg1: i32, %arg2: memref<2944x768xf32, #tpu.memory_space<hbm>>, %arg3: memref<2048xi32, #tpu.memory_space<hbm>>, %arg4: memref<2048x768xf32, #tpu.memory_space<hbm>>, %arg5: memref<64xi32, #tpu.memory_space<vmem>>, %arg6: memref<64x768xf32, #tpu.memory_space<vmem>>, %arg7: memref<!tpu.dma_semaphore, #tpu.memory_space<semaphore_mem>>) attributes {dimension_semantics = [#tpu.dimension_semantics<core_parallel>, #tpu.dimension_semantics<subcore_parallel>], iteration_bounds = array<i64: 2, 16>, scalar_prefetch = 0 : i64, scratch_operands = 3 : i64, tpu.core_type = #tpu.core_type<sc_vector_subcore>, window_params = [{transform_indices = #map}, {transform_indices = #map1}, {transform_indices = #map}]} {
    %mul3A = arith.constant 2 : i32
    %mul3A_0 = arith.muli %arg1, %mul3A : i32
    %add3A = arith.addi %mul3A_0, %arg0 : i32
    %mul3A_1 = arith.constant 64 : i32
    %mul3A_2 = arith.muli %add3A, %mul3A_1 : i32
    "tpu.region"() ({
      %run_scoped3A = tpu.sem_alloc : memref<!tpu.dma_semaphore, #tpu.memory_space<semaphore_mem>>
      %dma_start3A_7 = tpu.memref_slice %arg3[%mul3A_2] : memref<2048xi32, #tpu.memory_space<hbm>> -> memref<64xi32, #tpu.memory_space<hbm>>
      %dma_start3A_8 = tpu.memref_slice %arg3[%mul3A_2] : memref<2048xi32, #tpu.memory_space<hbm>> -> memref<64xi32, #tpu.memory_space<hbm>>
      tpu.enqueue_dma source(%dma_start3A_8 : memref<64xi32, #tpu.memory_space<hbm>>) target(%arg5 : memref<64xi32, #tpu.memory_space<vmem>>) target_semaphore(%run_scoped3A : memref<!tpu.dma_semaphore, #tpu.memory_space<semaphore_mem>>)
      %dma_wait3A_9 = tpu.memref_slice %arg3[%mul3A_2] : memref<2048xi32, #tpu.memory_space<hbm>> -> memref<64xi32, #tpu.memory_space<hbm>>
      %dma_wait3A_10 = tpu.memref_slice %arg3[%mul3A_2] : memref<2048xi32, #tpu.memory_space<hbm>> -> memref<64xi32, #tpu.memory_space<hbm>>
      tpu.wait_dma2 semaphore(%run_scoped3A : memref<!tpu.dma_semaphore, #tpu.memory_space<semaphore_mem>>) src(%dma_wait3A_10 : memref<64xi32, #tpu.memory_space<hbm>>) dst(%arg5 : memref<64xi32, #tpu.memory_space<vmem>>)
      tpu.yield
    }) : () -> ()
    %dma_start3A = arith.constant 0 : i32
    %dma_start3A_3 = arith.constant 0 : i32
    %dma_start3A_4 = tpu.memref_slice %arg2[%dma_start3A, %dma_start3A_3] : memref<2944x768xf32, #tpu.memory_space<hbm>> -> memref<2944x768xf32, #tpu.memory_space<hbm>>
    tpu.enqueue_indirect_dma source(%dma_start3A_4 : memref<2944x768xf32, #tpu.memory_space<hbm>>) target(%arg6 : memref<64x768xf32, #tpu.memory_space<vmem>>) offsets(%arg5 : memref<64xi32, #tpu.memory_space<vmem>>) semaphore(%arg7 : memref<!tpu.dma_semaphore, #tpu.memory_space<semaphore_mem>>)
    %dma_wait3A = arith.constant 0 : i32
    %dma_wait3A_5 = arith.constant 0 : i32
    %dma_wait3A_6 = tpu.memref_slice %arg2[%dma_wait3A, %dma_wait3A_5] : memref<2944x768xf32, #tpu.memory_space<hbm>> -> memref<2944x768xf32, #tpu.memory_space<hbm>>
    tpu.wait_indirect_dma semaphore(%arg7 : memref<!tpu.dma_semaphore, #tpu.memory_space<semaphore_mem>>) src(%dma_wait3A_6 : memref<2944x768xf32, #tpu.memory_space<hbm>>) dst(%arg6 : memref<64x768xf32, #tpu.memory_space<vmem>>)
    "tpu.region"() ({
      %run_scoped3A = tpu.sem_alloc : memref<!tpu.dma_semaphore, #tpu.memory_space<semaphore_mem>>
      %dma_start3A_7 = arith.constant 0 : i32
      %dma_start3A_8 = tpu.memref_slice %arg4[%mul3A_2, %dma_start3A_7] : memref<2048x768xf32, #tpu.memory_space<hbm>> -> memref<64x768xf32, #tpu.memory_space<hbm>>
      %dma_start3A_9 = arith.constant 0 : i32
      %dma_start3A_10 = tpu.memref_slice %arg4[%mul3A_2, %dma_start3A_9] : memref<2048x768xf32, #tpu.memory_space<hbm>> -> memref<64x768xf32, #tpu.memory_space<hbm>>
      tpu.enqueue_dma source(%arg6 : memref<64x768xf32, #tpu.memory_space<vmem>>) target(%dma_start3A_10 : memref<64x768xf32, #tpu.memory_space<hbm>>) target_semaphore(%run_scoped3A : memref<!tpu.dma_semaphore, #tpu.memory_space<semaphore_mem>>)
      %dma_wait3A_11 = arith.constant 0 : i32
      %dma_wait3A_12 = tpu.memref_slice %arg4[%mul3A_2, %dma_wait3A_11] : memref<2048x768xf32, #tpu.memory_space<hbm>> -> memref<64x768xf32, #tpu.memory_space<hbm>>
      %dma_wait3A_13 = arith.constant 0 : i32
      %dma_wait3A_14 = tpu.memref_slice %arg4[%mul3A_2, %dma_wait3A_13] : memref<2048x768xf32, #tpu.memory_space<hbm>> -> memref<64x768xf32, #tpu.memory_space<hbm>>
      tpu.wait_dma2 semaphore(%run_scoped3A : memref<!tpu.dma_semaphore, #tpu.memory_space<semaphore_mem>>) src(%arg6 : memref<64x768xf32, #tpu.memory_space<vmem>>) dst(%dma_wait3A_14 : memref<64x768xf32, #tpu.memory_space<hbm>>)
      tpu.yield
    }) : () -> ()
    return
  }
}

module attributes {stable_mosaic.version = 14 : i64} {
  func.func @_routing_body(%arg0: memref<2048x768xf32, #tpu.memory_space<vmem>>, %arg1: memref<768x8xf32, #tpu.memory_space<vmem>>, %arg2: memref<2048x8xi32, #tpu.memory_space<vmem>>, %arg3: memref<2048x128xf32, #tpu.memory_space<vmem>>, %arg4: memref<32x8xi32, #tpu.memory_space<vmem>>) attributes {dimension_semantics = [], scalar_prefetch = 0 : i64, scratch_operands = 0 : i64, tpu.core_type = #tpu.core_type<tc>} {
    %get3A = arith.constant 0 : index
    %get3A_0 = arith.constant 0 : index
    %get3A_1 = vector.load %arg0[%get3A, %get3A_0] : memref<2048x768xf32, #tpu.memory_space<vmem>>, vector<2048x768xf32>
    %get3A_2 = arith.constant 0 : index
    %get3A_3 = arith.constant 0 : index
    %get3A_4 = vector.load %arg1[%get3A_2, %get3A_3] : memref<768x8xf32, #tpu.memory_space<vmem>>, vector<768x8xf32>
    %dot_general3A = arith.constant dense<0.000000e+00> : vector<2048x8xf32>
    %dot_general3A_5 = tpu.matmul %get3A_1, %get3A_4, %dot_general3A {dimension_numbers = #tpu.dot_dimension_numbers<[1], [0], [0], [1], [0, 0, 1, 1], [], []>, transpose_lhs_hint = false} : vector<2048x768xf32>, vector<768x8xf32>, vector<2048x8xf32> -> vector<2048x8xf32>
    %reduce_max3A = arith.constant dense<0xFF800000> : vector<2048xf32>
    %reduce_max3A_6 = vector.multi_reduction <maximumf>, %dot_general3A_5, %reduce_max3A [1] : vector<2048x8xf32> to vector<2048xf32>
    %broadcast_in_dim3A = vector.shape_cast %reduce_max3A_6 : vector<2048xf32> to vector<2048x1xf32>
    %sub3A = vector.broadcast %broadcast_in_dim3A : vector<2048x1xf32> to vector<2048x8xf32>
    %sub3A_7 = arith.subf %dot_general3A_5, %sub3A : vector<2048x8xf32>
    %exp3A = math.exp %sub3A_7 : vector<2048x8xf32>
    %reduce_sum3A = arith.constant dense<0.000000e+00> : vector<2048xf32>
    %reduce_sum3A_8 = vector.multi_reduction <add>, %exp3A, %reduce_sum3A [1] : vector<2048x8xf32> to vector<2048xf32>
    %broadcast_in_dim3A_9 = vector.shape_cast %reduce_sum3A_8 : vector<2048xf32> to vector<2048x1xf32>
    %div3A = arith.constant 1.000000e+00 : f32
    %div3A_10 = vector.broadcast %div3A : f32 to vector<2048x1xf32>
    %div3A_11 = arith.divf %div3A_10, %broadcast_in_dim3A_9 : vector<2048x1xf32>
    %iota3A = tpu.iota {dimensions = array<i32: 1>} : vector<2048x8xi32>
    %eq3A = vector.broadcast %broadcast_in_dim3A : vector<2048x1xf32> to vector<2048x8xf32>
    %eq3A_12 = arith.cmpf oeq, %dot_general3A_5, %eq3A : vector<2048x8xf32>
    %jit3A = arith.constant 8 : i32
    %broadcast_in_dim3A_13 = vector.broadcast %jit3A : i32 to vector<2048x8xi32>
    %select_n3A = arith.select %eq3A_12, %iota3A, %broadcast_in_dim3A_13 : vector<2048x8xi1>, vector<2048x8xi32>
    %reduce_min3A = arith.constant dense<2147483647> : vector<2048xi32>
    %reduce_min3A_14 = vector.multi_reduction <minsi>, %select_n3A, %reduce_min3A [1] : vector<2048x8xi32> to vector<2048xi32>
    %broadcast_in_dim3A_15 = vector.shape_cast %reduce_min3A_14 : vector<2048xi32> to vector<2048x1xi32>
    %eq3A_16 = vector.broadcast %broadcast_in_dim3A_15 : vector<2048x1xi32> to vector<2048x8xi32>
    %eq3A_17 = arith.cmpi eq, %iota3A, %eq3A_16 : vector<2048x8xi32>
    %convert_element_type3A = arith.extui %eq3A_17 : vector<2048x8xi1> to vector<2048x8xi32>
    %convert_element_type3A_18 = arith.sitofp %convert_element_type3A : vector<2048x8xi32> to vector<2048x8xf32>
    %iota3A_19 = tpu.iota {dimensions = array<i32: 0>} : vector<256x256xi32>
    %iota3A_20 = tpu.iota {dimensions = array<i32: 1>} : vector<256x256xi32>
    %lt3A = arith.cmpi slt, %iota3A_20, %iota3A_19 : vector<256x256xi32>
    %convert_element_type3A_21 = arith.extui %lt3A : vector<256x256xi1> to vector<256x256xi32>
    %convert_element_type3A_22 = arith.sitofp %convert_element_type3A_21 : vector<256x256xi32> to vector<256x256xf32>
    %broadcast_in_dim3A_23 = arith.constant 0.000000e+00 : f32
    %broadcast_in_dim3A_24 = vector.broadcast %broadcast_in_dim3A_23 : f32 to vector<1x8xf32>
    %slice3A = vector.extract_strided_slice %convert_element_type3A_18 {offsets = [0, 0], sizes = [256, 8], strides = [1, 1]} : vector<2048x8xf32> to vector<256x8xf32>
    %dot_general3A_25 = arith.constant dense<0.000000e+00> : vector<256x8xf32>
    %dot_general3A_26 = tpu.matmul %convert_element_type3A_22, %slice3A, %dot_general3A_25 {dimension_numbers = #tpu.dot_dimension_numbers<[1], [0], [0], [1], [0, 0, 1, 1], [], []>, transpose_lhs_hint = false} : vector<256x256xf32>, vector<256x8xf32>, vector<256x8xf32> -> vector<256x8xf32>
    %add3A = vector.broadcast %broadcast_in_dim3A_24 : vector<1x8xf32> to vector<256x8xf32>
    %add3A_27 = arith.addf %dot_general3A_26, %add3A : vector<256x8xf32>
    %reduce_sum3A_28 = arith.constant dense<0.000000e+00> : vector<8xf32>
    %reduce_sum3A_29 = vector.multi_reduction <add>, %slice3A, %reduce_sum3A_28 [0] : vector<256x8xf32> to vector<8xf32>
    %broadcast_in_dim3A_30 = vector.shape_cast %reduce_sum3A_29 : vector<8xf32> to vector<1x8xf32>
    %add3A_31 = arith.addf %broadcast_in_dim3A_24, %broadcast_in_dim3A_30 : vector<1x8xf32>
    %slice3A_32 = vector.extract_strided_slice %convert_element_type3A_18 {offsets = [256, 0], sizes = [256, 8], strides = [1, 1]} : vector<2048x8xf32> to vector<256x8xf32>
    %dot_general3A_33 = arith.constant dense<0.000000e+00> : vector<256x8xf32>
    %dot_general3A_34 = tpu.matmul %convert_element_type3A_22, %slice3A_32, %dot_general3A_33 {dimension_numbers = #tpu.dot_dimension_numbers<[1], [0], [0], [1], [0, 0, 1, 1], [], []>, transpose_lhs_hint = false} : vector<256x256xf32>, vector<256x8xf32>, vector<256x8xf32> -> vector<256x8xf32>
    %add3A_35 = vector.broadcast %add3A_31 : vector<1x8xf32> to vector<256x8xf32>
    %add3A_36 = arith.addf %dot_general3A_34, %add3A_35 : vector<256x8xf32>
    %reduce_sum3A_37 = arith.constant dense<0.000000e+00> : vector<8xf32>
    %reduce_sum3A_38 = vector.multi_reduction <add>, %slice3A_32, %reduce_sum3A_37 [0] : vector<256x8xf32> to vector<8xf32>
    %broadcast_in_dim3A_39 = vector.shape_cast %reduce_sum3A_38 : vector<8xf32> to vector<1x8xf32>
    %add3A_40 = arith.addf %add3A_31, %broadcast_in_dim3A_39 : vector<1x8xf32>
    %slice3A_41 = vector.extract_strided_slice %convert_element_type3A_18 {offsets = [512, 0], sizes = [256, 8], strides = [1, 1]} : vector<2048x8xf32> to vector<256x8xf32>
    %dot_general3A_42 = arith.constant dense<0.000000e+00> : vector<256x8xf32>
    %dot_general3A_43 = tpu.matmul %convert_element_type3A_22, %slice3A_41, %dot_general3A_42 {dimension_numbers = #tpu.dot_dimension_numbers<[1], [0], [0], [1], [0, 0, 1, 1], [], []>, transpose_lhs_hint = false} : vector<256x256xf32>, vector<256x8xf32>, vector<256x8xf32> -> vector<256x8xf32>
    %add3A_44 = vector.broadcast %add3A_40 : vector<1x8xf32> to vector<256x8xf32>
    %add3A_45 = arith.addf %dot_general3A_43, %add3A_44 : vector<256x8xf32>
    %reduce_sum3A_46 = arith.constant dense<0.000000e+00> : vector<8xf32>
    %reduce_sum3A_47 = vector.multi_reduction <add>, %slice3A_41, %reduce_sum3A_46 [0] : vector<256x8xf32> to vector<8xf32>
    %broadcast_in_dim3A_48 = vector.shape_cast %reduce_sum3A_47 : vector<8xf32> to vector<1x8xf32>
    %add3A_49 = arith.addf %add3A_40, %broadcast_in_dim3A_48 : vector<1x8xf32>
    %slice3A_50 = vector.extract_strided_slice %convert_element_type3A_18 {offsets = [768, 0], sizes = [256, 8], strides = [1, 1]} : vector<2048x8xf32> to vector<256x8xf32>
    %dot_general3A_51 = arith.constant dense<0.000000e+00> : vector<256x8xf32>
    %dot_general3A_52 = tpu.matmul %convert_element_type3A_22, %slice3A_50, %dot_general3A_51 {dimension_numbers = #tpu.dot_dimension_numbers<[1], [0], [0], [1], [0, 0, 1, 1], [], []>, transpose_lhs_hint = false} : vector<256x256xf32>, vector<256x8xf32>, vector<256x8xf32> -> vector<256x8xf32>
    %add3A_53 = vector.broadcast %add3A_49 : vector<1x8xf32> to vector<256x8xf32>
    %add3A_54 = arith.addf %dot_general3A_52, %add3A_53 : vector<256x8xf32>
    %reduce_sum3A_55 = arith.constant dense<0.000000e+00> : vector<8xf32>
    %reduce_sum3A_56 = vector.multi_reduction <add>, %slice3A_50, %reduce_sum3A_55 [0] : vector<256x8xf32> to vector<8xf32>
    %broadcast_in_dim3A_57 = vector.shape_cast %reduce_sum3A_56 : vector<8xf32> to vector<1x8xf32>
    %add3A_58 = arith.addf %add3A_49, %broadcast_in_dim3A_57 : vector<1x8xf32>
    %slice3A_59 = vector.extract_strided_slice %convert_element_type3A_18 {offsets = [1024, 0], sizes = [256, 8], strides = [1, 1]} : vector<2048x8xf32> to vector<256x8xf32>
    %dot_general3A_60 = arith.constant dense<0.000000e+00> : vector<256x8xf32>
    %dot_general3A_61 = tpu.matmul %convert_element_type3A_22, %slice3A_59, %dot_general3A_60 {dimension_numbers = #tpu.dot_dimension_numbers<[1], [0], [0], [1], [0, 0, 1, 1], [], []>, transpose_lhs_hint = false} : vector<256x256xf32>, vector<256x8xf32>, vector<256x8xf32> -> vector<256x8xf32>
    %add3A_62 = vector.broadcast %add3A_58 : vector<1x8xf32> to vector<256x8xf32>
    %add3A_63 = arith.addf %dot_general3A_61, %add3A_62 : vector<256x8xf32>
    %reduce_sum3A_64 = arith.constant dense<0.000000e+00> : vector<8xf32>
    %reduce_sum3A_65 = vector.multi_reduction <add>, %slice3A_59, %reduce_sum3A_64 [0] : vector<256x8xf32> to vector<8xf32>
    %broadcast_in_dim3A_66 = vector.shape_cast %reduce_sum3A_65 : vector<8xf32> to vector<1x8xf32>
    %add3A_67 = arith.addf %add3A_58, %broadcast_in_dim3A_66 : vector<1x8xf32>
    %slice3A_68 = vector.extract_strided_slice %convert_element_type3A_18 {offsets = [1280, 0], sizes = [256, 8], strides = [1, 1]} : vector<2048x8xf32> to vector<256x8xf32>
    %dot_general3A_69 = arith.constant dense<0.000000e+00> : vector<256x8xf32>
    %dot_general3A_70 = tpu.matmul %convert_element_type3A_22, %slice3A_68, %dot_general3A_69 {dimension_numbers = #tpu.dot_dimension_numbers<[1], [0], [0], [1], [0, 0, 1, 1], [], []>, transpose_lhs_hint = false} : vector<256x256xf32>, vector<256x8xf32>, vector<256x8xf32> -> vector<256x8xf32>
    %add3A_71 = vector.broadcast %add3A_67 : vector<1x8xf32> to vector<256x8xf32>
    %add3A_72 = arith.addf %dot_general3A_70, %add3A_71 : vector<256x8xf32>
    %reduce_sum3A_73 = arith.constant dense<0.000000e+00> : vector<8xf32>
    %reduce_sum3A_74 = vector.multi_reduction <add>, %slice3A_68, %reduce_sum3A_73 [0] : vector<256x8xf32> to vector<8xf32>
    %broadcast_in_dim3A_75 = vector.shape_cast %reduce_sum3A_74 : vector<8xf32> to vector<1x8xf32>
    %add3A_76 = arith.addf %add3A_67, %broadcast_in_dim3A_75 : vector<1x8xf32>
    %slice3A_77 = vector.extract_strided_slice %convert_element_type3A_18 {offsets = [1536, 0], sizes = [256, 8], strides = [1, 1]} : vector<2048x8xf32> to vector<256x8xf32>
    %dot_general3A_78 = arith.constant dense<0.000000e+00> : vector<256x8xf32>
    %dot_general3A_79 = tpu.matmul %convert_element_type3A_22, %slice3A_77, %dot_general3A_78 {dimension_numbers = #tpu.dot_dimension_numbers<[1], [0], [0], [1], [0, 0, 1, 1], [], []>, transpose_lhs_hint = false} : vector<256x256xf32>, vector<256x8xf32>, vector<256x8xf32> -> vector<256x8xf32>
    %add3A_80 = vector.broadcast %add3A_76 : vector<1x8xf32> to vector<256x8xf32>
    %add3A_81 = arith.addf %dot_general3A_79, %add3A_80 : vector<256x8xf32>
    %reduce_sum3A_82 = arith.constant dense<0.000000e+00> : vector<8xf32>
    %reduce_sum3A_83 = vector.multi_reduction <add>, %slice3A_77, %reduce_sum3A_82 [0] : vector<256x8xf32> to vector<8xf32>
    %broadcast_in_dim3A_84 = vector.shape_cast %reduce_sum3A_83 : vector<8xf32> to vector<1x8xf32>
    %add3A_85 = arith.addf %add3A_76, %broadcast_in_dim3A_84 : vector<1x8xf32>
    %slice3A_86 = vector.extract_strided_slice %convert_element_type3A_18 {offsets = [1792, 0], sizes = [256, 8], strides = [1, 1]} : vector<2048x8xf32> to vector<256x8xf32>
    %dot_general3A_87 = arith.constant dense<0.000000e+00> : vector<256x8xf32>
    %dot_general3A_88 = tpu.matmul %convert_element_type3A_22, %slice3A_86, %dot_general3A_87 {dimension_numbers = #tpu.dot_dimension_numbers<[1], [0], [0], [1], [0, 0, 1, 1], [], []>, transpose_lhs_hint = false} : vector<256x256xf32>, vector<256x8xf32>, vector<256x8xf32> -> vector<256x8xf32>
    %add3A_89 = vector.broadcast %add3A_85 : vector<1x8xf32> to vector<256x8xf32>
    %add3A_90 = arith.addf %dot_general3A_88, %add3A_89 : vector<256x8xf32>
    %reduce_sum3A_91 = arith.constant dense<0.000000e+00> : vector<8xf32>
    %reduce_sum3A_92 = vector.multi_reduction <add>, %slice3A_86, %reduce_sum3A_91 [0] : vector<256x8xf32> to vector<8xf32>
    %broadcast_in_dim3A_93 = vector.shape_cast %reduce_sum3A_92 : vector<8xf32> to vector<1x8xf32>
    %add3A_94 = arith.addf %add3A_85, %broadcast_in_dim3A_93 : vector<1x8xf32>
    %convert_element_type3A_95 = arith.fptosi %add3A_94 : vector<1x8xf32> to vector<1x8xi32>
    %add3A_96 = arith.constant 128 : i32
    %add3A_97 = vector.broadcast %add3A_96 : i32 to vector<1x8xi32>
    %add3A_98 = arith.addi %convert_element_type3A_95, %add3A_97 : vector<1x8xi32>
    %sub3A_99 = arith.constant 1 : i32
    %sub3A_100 = vector.broadcast %sub3A_99 : i32 to vector<1x8xi32>
    %sub3A_101 = arith.subi %add3A_98, %sub3A_100 : vector<1x8xi32>
    %jit3A_102 = arith.constant 128 : i32
    %div3A_103 = vector.broadcast %jit3A_102 : i32 to vector<1x8xi32>
    %div3A_104 = arith.divsi %sub3A_101, %div3A_103 : vector<1x8xi32>
    %sign3A = arith.constant 0 : i32
    %sign3A_105 = vector.broadcast %sign3A : i32 to vector<1x8xi32>
    %sign3A_106 = arith.cmpi sgt, %sub3A_101, %sign3A_105 : vector<1x8xi32>
    %sign3A_107 = arith.extui %sign3A_106 : vector<1x8xi1> to vector<1x8xi32>
    %sign3A_108 = arith.constant 0 : i32
    %sign3A_109 = vector.broadcast %sign3A_108 : i32 to vector<1x8xi32>
    %sign3A_110 = arith.cmpi slt, %sub3A_101, %sign3A_109 : vector<1x8xi32>
    %sign3A_111 = arith.extui %sign3A_110 : vector<1x8xi1> to vector<1x8xi32>
    %sign3A_112 = arith.subi %sign3A_107, %sign3A_111 : vector<1x8xi32>
    %sign3A_113 = arith.constant 0 : i32
    %sign3A_114 = arith.cmpi sgt, %jit3A_102, %sign3A_113 : i32
    %sign3A_115 = arith.extui %sign3A_114 : i1 to i32
    %sign3A_116 = arith.constant 0 : i32
    %sign3A_117 = arith.cmpi slt, %jit3A_102, %sign3A_116 : i32
    %sign3A_118 = arith.extui %sign3A_117 : i1 to i32
    %sign3A_119 = arith.subi %sign3A_115, %sign3A_118 : i32
    %ne3A = vector.broadcast %sign3A_119 : i32 to vector<1x8xi32>
    %ne3A_120 = arith.cmpi ne, %sign3A_112, %ne3A : vector<1x8xi32>
    %rem3A = vector.broadcast %jit3A_102 : i32 to vector<1x8xi32>
    %rem3A_121 = arith.remsi %sub3A_101, %rem3A : vector<1x8xi32>
    %ne3A_122 = arith.constant 0 : i32
    %ne3A_123 = vector.broadcast %ne3A_122 : i32 to vector<1x8xi32>
    %ne3A_124 = arith.cmpi ne, %rem3A_121, %ne3A_123 : vector<1x8xi32>
    %and3A = arith.andi %ne3A_120, %ne3A_124 : vector<1x8xi1>
    %sub3A_125 = arith.constant 1 : i32
    %sub3A_126 = vector.broadcast %sub3A_125 : i32 to vector<1x8xi32>
    %sub3A_127 = arith.subi %div3A_104, %sub3A_126 : vector<1x8xi32>
    %select_n3A_128 = arith.select %and3A, %sub3A_127, %div3A_104 : vector<1x8xi1>, vector<1x8xi32>
    %gt3A = arith.constant 0 : i32
    %gt3A_129 = vector.broadcast %gt3A : i32 to vector<1x8xi32>
    %gt3A_130 = arith.cmpi sgt, %convert_element_type3A_95, %gt3A_129 : vector<1x8xi32>
    %convert_element_type3A_131 = arith.extui %gt3A_130 : vector<1x8xi1> to vector<1x8xi32>
    %iota3A_132 = tpu.iota {dimensions = array<i32: 0>} : vector<8x8xi32>
    %iota3A_133 = tpu.iota {dimensions = array<i32: 1>} : vector<8x8xi32>
    %lt3A_134 = arith.cmpi slt, %iota3A_132, %iota3A_133 : vector<8x8xi32>
    %convert_element_type3A_135 = arith.extui %lt3A_134 : vector<8x8xi1> to vector<8x8xi32>
    %convert_element_type3A_136 = arith.sitofp %convert_element_type3A_135 : vector<8x8xi32> to vector<8x8xf32>
    %convert_element_type3A_137 = arith.sitofp %select_n3A_128 : vector<1x8xi32> to vector<1x8xf32>
    %dot_general3A_138 = arith.constant dense<0.000000e+00> : vector<1x8xf32>
    %dot_general3A_139 = tpu.matmul %convert_element_type3A_137, %convert_element_type3A_136, %dot_general3A_138 {dimension_numbers = #tpu.dot_dimension_numbers<[1], [0], [0], [1], [0, 0, 1, 1], [], []>, transpose_lhs_hint = false} : vector<1x8xf32>, vector<8x8xf32>, vector<1x8xf32> -> vector<1x8xf32>
    %convert_element_type3A_140 = arith.sitofp %convert_element_type3A_131 : vector<1x8xi32> to vector<1x8xf32>
    %dot_general3A_141 = arith.constant dense<0.000000e+00> : vector<1x8xf32>
    %dot_general3A_142 = tpu.matmul %convert_element_type3A_140, %convert_element_type3A_136, %dot_general3A_141 {dimension_numbers = #tpu.dot_dimension_numbers<[1], [0], [0], [1], [0, 0, 1, 1], [], []>, transpose_lhs_hint = false} : vector<1x8xf32>, vector<8x8xf32>, vector<1x8xf32> -> vector<1x8xf32>
    %convert_element_type3A_143 = arith.fptosi %dot_general3A_142 : vector<1x8xf32> to vector<1x8xi32>
    %mul3A = arith.constant 1.280000e+02 : f32
    %mul3A_144 = vector.broadcast %mul3A : f32 to vector<1x8xf32>
    %mul3A_145 = arith.mulf %dot_general3A_139, %mul3A_144 : vector<1x8xf32>
    %slice3A_146 = vector.extract_strided_slice %convert_element_type3A_18 {offsets = [0, 0], sizes = [256, 8], strides = [1, 1]} : vector<2048x8xf32> to vector<256x8xf32>
    %add3A_147 = vector.broadcast %mul3A_145 : vector<1x8xf32> to vector<256x8xf32>
    %add3A_148 = arith.addf %add3A_27, %add3A_147 : vector<256x8xf32>
    %mul3A_149 = arith.mulf %slice3A_146, %add3A_148 : vector<256x8xf32>
    %reduce_sum3A_150 = arith.constant dense<0.000000e+00> : vector<256xf32>
    %reduce_sum3A_151 = vector.multi_reduction <add>, %mul3A_149, %reduce_sum3A_150 [1] : vector<256x8xf32> to vector<256xf32>
    %broadcast_in_dim3A_152 = vector.shape_cast %reduce_sum3A_151 : vector<256xf32> to vector<256x1xf32>
    %convert_element_type3A_153 = arith.fptosi %broadcast_in_dim3A_152 : vector<256x1xf32> to vector<256x1xi32>
    %broadcast_in_dim3A_154 = vector.shape_cast %convert_element_type3A_153 : vector<256x1xi32> to vector<256x1xi32>
    %broadcast_in_dim3A_155 = vector.broadcast %broadcast_in_dim3A_154 : vector<256x1xi32> to vector<256x8xi32>
    %swap3A = arith.constant 0 : index
    %swap3A_156 = arith.constant 0 : index
    %swap3A_157 = vector.load %arg2[%swap3A, %swap3A_156] : memref<2048x8xi32, #tpu.memory_space<vmem>>, vector<256x8xi32>
    tpu.vector_store %arg2[%swap3A, %swap3A_156], %broadcast_in_dim3A_155 {strides = array<i32>} : memref<2048x8xi32, #tpu.memory_space<vmem>>, vector<256x8xi32>,
    %slice3A_158 = vector.extract_strided_slice %convert_element_type3A_18 {offsets = [256, 0], sizes = [256, 8], strides = [1, 1]} : vector<2048x8xf32> to vector<256x8xf32>
    %add3A_159 = vector.broadcast %mul3A_145 : vector<1x8xf32> to vector<256x8xf32>
    %add3A_160 = arith.addf %add3A_36, %add3A_159 : vector<256x8xf32>
    %mul3A_161 = arith.mulf %slice3A_158, %add3A_160 : vector<256x8xf32>
    %reduce_sum3A_162 = arith.constant dense<0.000000e+00> : vector<256xf32>
    %reduce_sum3A_163 = vector.multi_reduction <add>, %mul3A_161, %reduce_sum3A_162 [1] : vector<256x8xf32> to vector<256xf32>
    %broadcast_in_dim3A_164 = vector.shape_cast %reduce_sum3A_163 : vector<256xf32> to vector<256x1xf32>
    %convert_element_type3A_165 = arith.fptosi %broadcast_in_dim3A_164 : vector<256x1xf32> to vector<256x1xi32>
    %broadcast_in_dim3A_166 = vector.shape_cast %convert_element_type3A_165 : vector<256x1xi32> to vector<256x1xi32>
    %broadcast_in_dim3A_167 = vector.broadcast %broadcast_in_dim3A_166 : vector<256x1xi32> to vector<256x8xi32>
    %swap3A_168 = arith.constant 256 : index
    %swap3A_169 = arith.constant 0 : index
    %swap3A_170 = vector.load %arg2[%swap3A_168, %swap3A_169] : memref<2048x8xi32, #tpu.memory_space<vmem>>, vector<256x8xi32>
    tpu.vector_store %arg2[%swap3A_168, %swap3A_169], %broadcast_in_dim3A_167 {strides = array<i32>} : memref<2048x8xi32, #tpu.memory_space<vmem>>, vector<256x8xi32>,
    %slice3A_171 = vector.extract_strided_slice %convert_element_type3A_18 {offsets = [512, 0], sizes = [256, 8], strides = [1, 1]} : vector<2048x8xf32> to vector<256x8xf32>
    %add3A_172 = vector.broadcast %mul3A_145 : vector<1x8xf32> to vector<256x8xf32>
    %add3A_173 = arith.addf %add3A_45, %add3A_172 : vector<256x8xf32>
    %mul3A_174 = arith.mulf %slice3A_171, %add3A_173 : vector<256x8xf32>
    %reduce_sum3A_175 = arith.constant dense<0.000000e+00> : vector<256xf32>
    %reduce_sum3A_176 = vector.multi_reduction <add>, %mul3A_174, %reduce_sum3A_175 [1] : vector<256x8xf32> to vector<256xf32>
    %broadcast_in_dim3A_177 = vector.shape_cast %reduce_sum3A_176 : vector<256xf32> to vector<256x1xf32>
    %convert_element_type3A_178 = arith.fptosi %broadcast_in_dim3A_177 : vector<256x1xf32> to vector<256x1xi32>
    %broadcast_in_dim3A_179 = vector.shape_cast %convert_element_type3A_178 : vector<256x1xi32> to vector<256x1xi32>
    %broadcast_in_dim3A_180 = vector.broadcast %broadcast_in_dim3A_179 : vector<256x1xi32> to vector<256x8xi32>
    %swap3A_181 = arith.constant 512 : index
    %swap3A_182 = arith.constant 0 : index
    %swap3A_183 = vector.load %arg2[%swap3A_181, %swap3A_182] : memref<2048x8xi32, #tpu.memory_space<vmem>>, vector<256x8xi32>
    tpu.vector_store %arg2[%swap3A_181, %swap3A_182], %broadcast_in_dim3A_180 {strides = array<i32>} : memref<2048x8xi32, #tpu.memory_space<vmem>>, vector<256x8xi32>,
    %slice3A_184 = vector.extract_strided_slice %convert_element_type3A_18 {offsets = [768, 0], sizes = [256, 8], strides = [1, 1]} : vector<2048x8xf32> to vector<256x8xf32>
    %add3A_185 = vector.broadcast %mul3A_145 : vector<1x8xf32> to vector<256x8xf32>
    %add3A_186 = arith.addf %add3A_54, %add3A_185 : vector<256x8xf32>
    %mul3A_187 = arith.mulf %slice3A_184, %add3A_186 : vector<256x8xf32>
    %reduce_sum3A_188 = arith.constant dense<0.000000e+00> : vector<256xf32>
    %reduce_sum3A_189 = vector.multi_reduction <add>, %mul3A_187, %reduce_sum3A_188 [1] : vector<256x8xf32> to vector<256xf32>
    %broadcast_in_dim3A_190 = vector.shape_cast %reduce_sum3A_189 : vector<256xf32> to vector<256x1xf32>
    %convert_element_type3A_191 = arith.fptosi %broadcast_in_dim3A_190 : vector<256x1xf32> to vector<256x1xi32>
    %broadcast_in_dim3A_192 = vector.shape_cast %convert_element_type3A_191 : vector<256x1xi32> to vector<256x1xi32>
    %broadcast_in_dim3A_193 = vector.broadcast %broadcast_in_dim3A_192 : vector<256x1xi32> to vector<256x8xi32>
    %swap3A_194 = arith.constant 768 : index
    %swap3A_195 = arith.constant 0 : index
    %swap3A_196 = vector.load %arg2[%swap3A_194, %swap3A_195] : memref<2048x8xi32, #tpu.memory_space<vmem>>, vector<256x8xi32>
    tpu.vector_store %arg2[%swap3A_194, %swap3A_195], %broadcast_in_dim3A_193 {strides = array<i32>} : memref<2048x8xi32, #tpu.memory_space<vmem>>, vector<256x8xi32>,
    %slice3A_197 = vector.extract_strided_slice %convert_element_type3A_18 {offsets = [1024, 0], sizes = [256, 8], strides = [1, 1]} : vector<2048x8xf32> to vector<256x8xf32>
    %add3A_198 = vector.broadcast %mul3A_145 : vector<1x8xf32> to vector<256x8xf32>
    %add3A_199 = arith.addf %add3A_63, %add3A_198 : vector<256x8xf32>
    %mul3A_200 = arith.mulf %slice3A_197, %add3A_199 : vector<256x8xf32>
    %reduce_sum3A_201 = arith.constant dense<0.000000e+00> : vector<256xf32>
    %reduce_sum3A_202 = vector.multi_reduction <add>, %mul3A_200, %reduce_sum3A_201 [1] : vector<256x8xf32> to vector<256xf32>
    %broadcast_in_dim3A_203 = vector.shape_cast %reduce_sum3A_202 : vector<256xf32> to vector<256x1xf32>
    %convert_element_type3A_204 = arith.fptosi %broadcast_in_dim3A_203 : vector<256x1xf32> to vector<256x1xi32>
    %broadcast_in_dim3A_205 = vector.shape_cast %convert_element_type3A_204 : vector<256x1xi32> to vector<256x1xi32>
    %broadcast_in_dim3A_206 = vector.broadcast %broadcast_in_dim3A_205 : vector<256x1xi32> to vector<256x8xi32>
    %swap3A_207 = arith.constant 1024 : index
    %swap3A_208 = arith.constant 0 : index
    %swap3A_209 = vector.load %arg2[%swap3A_207, %swap3A_208] : memref<2048x8xi32, #tpu.memory_space<vmem>>, vector<256x8xi32>
    tpu.vector_store %arg2[%swap3A_207, %swap3A_208], %broadcast_in_dim3A_206 {strides = array<i32>} : memref<2048x8xi32, #tpu.memory_space<vmem>>, vector<256x8xi32>,
    %slice3A_210 = vector.extract_strided_slice %convert_element_type3A_18 {offsets = [1280, 0], sizes = [256, 8], strides = [1, 1]} : vector<2048x8xf32> to vector<256x8xf32>
    %add3A_211 = vector.broadcast %mul3A_145 : vector<1x8xf32> to vector<256x8xf32>
    %add3A_212 = arith.addf %add3A_72, %add3A_211 : vector<256x8xf32>
    %mul3A_213 = arith.mulf %slice3A_210, %add3A_212 : vector<256x8xf32>
    %reduce_sum3A_214 = arith.constant dense<0.000000e+00> : vector<256xf32>
    %reduce_sum3A_215 = vector.multi_reduction <add>, %mul3A_213, %reduce_sum3A_214 [1] : vector<256x8xf32> to vector<256xf32>
    %broadcast_in_dim3A_216 = vector.shape_cast %reduce_sum3A_215 : vector<256xf32> to vector<256x1xf32>
    %convert_element_type3A_217 = arith.fptosi %broadcast_in_dim3A_216 : vector<256x1xf32> to vector<256x1xi32>
    %broadcast_in_dim3A_218 = vector.shape_cast %convert_element_type3A_217 : vector<256x1xi32> to vector<256x1xi32>
    %broadcast_in_dim3A_219 = vector.broadcast %broadcast_in_dim3A_218 : vector<256x1xi32> to vector<256x8xi32>
    %swap3A_220 = arith.constant 1280 : index
    %swap3A_221 = arith.constant 0 : index
    %swap3A_222 = vector.load %arg2[%swap3A_220, %swap3A_221] : memref<2048x8xi32, #tpu.memory_space<vmem>>, vector<256x8xi32>
    tpu.vector_store %arg2[%swap3A_220, %swap3A_221], %broadcast_in_dim3A_219 {strides = array<i32>} : memref<2048x8xi32, #tpu.memory_space<vmem>>, vector<256x8xi32>,
    %slice3A_223 = vector.extract_strided_slice %convert_element_type3A_18 {offsets = [1536, 0], sizes = [256, 8], strides = [1, 1]} : vector<2048x8xf32> to vector<256x8xf32>
    %add3A_224 = vector.broadcast %mul3A_145 : vector<1x8xf32> to vector<256x8xf32>
    %add3A_225 = arith.addf %add3A_81, %add3A_224 : vector<256x8xf32>
    %mul3A_226 = arith.mulf %slice3A_223, %add3A_225 : vector<256x8xf32>
    %reduce_sum3A_227 = arith.constant dense<0.000000e+00> : vector<256xf32>
    %reduce_sum3A_228 = vector.multi_reduction <add>, %mul3A_226, %reduce_sum3A_227 [1] : vector<256x8xf32> to vector<256xf32>
    %broadcast_in_dim3A_229 = vector.shape_cast %reduce_sum3A_228 : vector<256xf32> to vector<256x1xf32>
    %convert_element_type3A_230 = arith.fptosi %broadcast_in_dim3A_229 : vector<256x1xf32> to vector<256x1xi32>
    %broadcast_in_dim3A_231 = vector.shape_cast %convert_element_type3A_230 : vector<256x1xi32> to vector<256x1xi32>
    %broadcast_in_dim3A_232 = vector.broadcast %broadcast_in_dim3A_231 : vector<256x1xi32> to vector<256x8xi32>
    %swap3A_233 = arith.constant 1536 : index
    %swap3A_234 = arith.constant 0 : index
    %swap3A_235 = vector.load %arg2[%swap3A_233, %swap3A_234] : memref<2048x8xi32, #tpu.memory_space<vmem>>, vector<256x8xi32>
    tpu.vector_store %arg2[%swap3A_233, %swap3A_234], %broadcast_in_dim3A_232 {strides = array<i32>} : memref<2048x8xi32, #tpu.memory_space<vmem>>, vector<256x8xi32>,
    %slice3A_236 = vector.extract_strided_slice %convert_element_type3A_18 {offsets = [1792, 0], sizes = [256, 8], strides = [1, 1]} : vector<2048x8xf32> to vector<256x8xf32>
    %add3A_237 = vector.broadcast %mul3A_145 : vector<1x8xf32> to vector<256x8xf32>
    %add3A_238 = arith.addf %add3A_90, %add3A_237 : vector<256x8xf32>
    %mul3A_239 = arith.mulf %slice3A_236, %add3A_238 : vector<256x8xf32>
    %reduce_sum3A_240 = arith.constant dense<0.000000e+00> : vector<256xf32>
    %reduce_sum3A_241 = vector.multi_reduction <add>, %mul3A_239, %reduce_sum3A_240 [1] : vector<256x8xf32> to vector<256xf32>
    %broadcast_in_dim3A_242 = vector.shape_cast %reduce_sum3A_241 : vector<256xf32> to vector<256x1xf32>
    %convert_element_type3A_243 = arith.fptosi %broadcast_in_dim3A_242 : vector<256x1xf32> to vector<256x1xi32>
    %broadcast_in_dim3A_244 = vector.shape_cast %convert_element_type3A_243 : vector<256x1xi32> to vector<256x1xi32>
    %broadcast_in_dim3A_245 = vector.broadcast %broadcast_in_dim3A_244 : vector<256x1xi32> to vector<256x8xi32>
    %swap3A_246 = arith.constant 1792 : index
    %swap3A_247 = arith.constant 0 : index
    %swap3A_248 = vector.load %arg2[%swap3A_246, %swap3A_247] : memref<2048x8xi32, #tpu.memory_space<vmem>>, vector<256x8xi32>
    tpu.vector_store %arg2[%swap3A_246, %swap3A_247], %broadcast_in_dim3A_245 {strides = array<i32>} : memref<2048x8xi32, #tpu.memory_space<vmem>>, vector<256x8xi32>,
    %broadcast_in_dim3A_249 = vector.shape_cast %div3A_11 : vector<2048x1xf32> to vector<2048x1xf32>
    %broadcast_in_dim3A_250 = vector.broadcast %broadcast_in_dim3A_249 : vector<2048x1xf32> to vector<2048x128xf32>
    %swap3A_251 = arith.constant 0 : index
    %swap3A_252 = arith.constant 0 : index
    %swap3A_253 = vector.load %arg3[%swap3A_251, %swap3A_252] : memref<2048x128xf32, #tpu.memory_space<vmem>>, vector<2048x128xf32>
    tpu.vector_store %arg3[%swap3A_251, %swap3A_252], %broadcast_in_dim3A_250 {strides = array<i32>} : memref<2048x128xf32, #tpu.memory_space<vmem>>, vector<2048x128xf32>,
    %iota3A_254 = tpu.iota {dimensions = array<i32: 0>} : vector<32x1xi32>
    %iota3A_255 = tpu.iota {dimensions = array<i32: 1>} : vector<32x8xi32>
    %broadcast_in_dim3A_256 = vector.shape_cast %convert_element_type3A_131 : vector<1x8xi32> to vector<1x8xi32>
    %broadcast_in_dim3A_257 = vector.broadcast %broadcast_in_dim3A_256 : vector<1x8xi32> to vector<32x8xi32>
    %convert_element_type3A_258 = arith.fptosi %dot_general3A_139 : vector<1x8xf32> to vector<1x8xi32>
    %broadcast_in_dim3A_259 = vector.shape_cast %convert_element_type3A_258 : vector<1x8xi32> to vector<1x8xi32>
    %broadcast_in_dim3A_260 = vector.broadcast %broadcast_in_dim3A_259 : vector<1x8xi32> to vector<32x8xi32>
    %gt3A_261 = arith.constant 0 : i32
    %gt3A_262 = vector.broadcast %gt3A_261 : i32 to vector<32x8xi32>
    %gt3A_263 = arith.cmpi sgt, %broadcast_in_dim3A_257, %gt3A_262 : vector<32x8xi32>
    %le3A = vector.broadcast %iota3A_254 : vector<32x1xi32> to vector<32x8xi32>
    %le3A_264 = arith.cmpi sle, %broadcast_in_dim3A_260, %le3A : vector<32x8xi32>
    %and3A_265 = arith.andi %gt3A_263, %le3A_264 : vector<32x8xi1>
    %jit3A_266 = arith.constant 0 : i32
    %broadcast_in_dim3A_267 = vector.broadcast %jit3A_266 : i32 to vector<32x8xi32>
    %select_n3A_268 = arith.select %and3A_265, %iota3A_255, %broadcast_in_dim3A_267 : vector<32x8xi1>, vector<32x8xi32>
    %reduce_max3A_269 = arith.constant dense<-2147483648> : vector<32xi32>
    %reduce_max3A_270 = vector.multi_reduction <maxsi>, %select_n3A_268, %reduce_max3A_269 [1] : vector<32x8xi32> to vector<32xi32>
    %broadcast_in_dim3A_271 = vector.shape_cast %reduce_max3A_270 : vector<32xi32> to vector<32x1xi32>
    %lt3A_272 = vector.broadcast %broadcast_in_dim3A_271 : vector<32x1xi32> to vector<32x8xi32>
    %lt3A_273 = arith.cmpi slt, %iota3A_255, %lt3A_272 : vector<32x8xi32>
    %gt3A_274 = arith.constant 0 : i32
    %gt3A_275 = vector.broadcast %gt3A_274 : i32 to vector<32x8xi32>
    %gt3A_276 = arith.cmpi sgt, %broadcast_in_dim3A_257, %gt3A_275 : vector<32x8xi32>
    %and3A_277 = arith.andi %lt3A_273, %gt3A_276 : vector<32x8xi1>
    %convert_element_type3A_278 = arith.extui %and3A_277 : vector<32x8xi1> to vector<32x8xi32>
    %reduce_sum3A_279 = arith.constant dense<0> : vector<32xi32>
    %reduce_sum3A_280 = vector.multi_reduction <add>, %convert_element_type3A_278, %reduce_sum3A_279 [1] : vector<32x8xi32> to vector<32xi32>
    %broadcast_in_dim3A_281 = vector.shape_cast %reduce_sum3A_280 : vector<32xi32> to vector<32x1xi32>
    %broadcast_in_dim3A_282 = vector.shape_cast %convert_element_type3A_143 : vector<1x8xi32> to vector<1x8xi32>
    %broadcast_in_dim3A_283 = vector.broadcast %broadcast_in_dim3A_282 : vector<1x8xi32> to vector<32x8xi32>
    %gt3A_284 = arith.constant 0 : i32
    %gt3A_285 = vector.broadcast %gt3A_284 : i32 to vector<32x8xi32>
    %gt3A_286 = arith.cmpi sgt, %broadcast_in_dim3A_257, %gt3A_285 : vector<32x8xi32>
    %sub3A_287 = arith.constant 23 : i32
    %sub3A_288 = vector.broadcast %sub3A_287 : i32 to vector<32x1xi32>
    %sub3A_289 = arith.subi %iota3A_254, %sub3A_288 : vector<32x1xi32>
    %eq3A_290 = vector.broadcast %sub3A_289 : vector<32x1xi32> to vector<32x8xi32>
    %eq3A_291 = arith.cmpi eq, %broadcast_in_dim3A_283, %eq3A_290 : vector<32x8xi32>
    %and3A_292 = arith.andi %gt3A_286, %eq3A_291 : vector<32x8xi1>
    %jit3A_293 = arith.constant 0 : i32
    %broadcast_in_dim3A_294 = vector.broadcast %jit3A_293 : i32 to vector<32x8xi32>
    %select_n3A_295 = arith.select %and3A_292, %iota3A_255, %broadcast_in_dim3A_294 : vector<32x8xi1>, vector<32x8xi32>
    %reduce_sum3A_296 = arith.constant dense<0> : vector<32xi32>
    %reduce_sum3A_297 = vector.multi_reduction <add>, %select_n3A_295, %reduce_sum3A_296 [1] : vector<32x8xi32> to vector<32xi32>
    %broadcast_in_dim3A_298 = vector.shape_cast %reduce_sum3A_297 : vector<32xi32> to vector<32x1xi32>
    %slice3A_299 = vector.extract_strided_slice %broadcast_in_dim3A_257 {offsets = [0, 0], sizes = [1, 8], strides = [1, 1]} : vector<32x8xi32> to vector<1x8xi32>
    %reduce_sum3A_300 = arith.constant dense<0> : vector<1xi32>
    %reduce_sum3A_301 = vector.multi_reduction <add>, %slice3A_299, %reduce_sum3A_300 [1] : vector<1x8xi32> to vector<1xi32>
    %broadcast_in_dim3A_302 = vector.shape_cast %reduce_sum3A_301 : vector<1xi32> to vector<1x1xi32>
    %lt3A_303 = arith.constant 23 : i32
    %lt3A_304 = vector.broadcast %lt3A_303 : i32 to vector<32x1xi32>
    %lt3A_305 = arith.cmpi slt, %iota3A_254, %lt3A_304 : vector<32x1xi32>
    %lt3A_306 = arith.constant 31 : i32
    %lt3A_307 = vector.broadcast %lt3A_306 : i32 to vector<32x1xi32>
    %lt3A_308 = arith.cmpi slt, %iota3A_254, %lt3A_307 : vector<32x1xi32>
    %broadcast_in_dim3A_309 = vector.shape_cast %broadcast_in_dim3A_302 : vector<1x1xi32> to vector<1x1xi32>
    %broadcast_in_dim3A_310 = vector.broadcast %broadcast_in_dim3A_309 : vector<1x1xi32> to vector<32x1xi32>
    %select_n3A_311 = arith.select %lt3A_308, %broadcast_in_dim3A_298, %broadcast_in_dim3A_310 : vector<32x1xi1>, vector<32x1xi32>
    %select_n3A_312 = arith.select %lt3A_305, %broadcast_in_dim3A_281, %select_n3A_311 : vector<32x1xi1>, vector<32x1xi32>
    %broadcast_in_dim3A_313 = vector.shape_cast %select_n3A_312 : vector<32x1xi32> to vector<32x1xi32>
    %broadcast_in_dim3A_314 = vector.broadcast %broadcast_in_dim3A_313 : vector<32x1xi32> to vector<32x8xi32>
    %swap3A_315 = arith.constant 0 : index
    %swap3A_316 = arith.constant 0 : index
    %swap3A_317 = vector.load %arg4[%swap3A_315, %swap3A_316] : memref<32x8xi32, #tpu.memory_space<vmem>>, vector<32x8xi32>
    tpu.vector_store %arg4[%swap3A_315, %swap3A_316], %broadcast_in_dim3A_314 {strides = array<i32>} : memref<32x8xi32, #tpu.memory_space<vmem>>, vector<32x8xi32>,
    return
  }
}

module attributes {stable_mosaic.version = 14 : i64} {
  func.func @_mlp_body(%arg0: i32, %arg1: memref<32xi32, #tpu.memory_space<smem>>, %arg2: memref<128x768xf32, #tpu.memory_space<vmem>>, %arg3: memref<1x1x3072xf32, #tpu.memory_space<vmem>>, %arg4: memref<1x1x768xf32, #tpu.memory_space<vmem>>, %arg5: memref<128x128xf32, #tpu.memory_space<vmem>>, %arg6: memref<8x768x3072xf32, #tpu.memory_space<any>>, %arg7: memref<8x3072x768xf32, #tpu.memory_space<any>>, %arg8: memref<128x768xf32, #tpu.memory_space<vmem>>, %arg9: memref<2x768x3072xf32, #tpu.memory_space<vmem>>, %arg10: memref<2x3072x768xf32, #tpu.memory_space<vmem>>, %arg11: memref<2x8x!tpu.dma_semaphore, #tpu.memory_space<semaphore_mem>>) attributes {dimension_semantics = [#tpu.dimension_semantics<arbitrary>], iteration_bounds = array<i64: 23>, scalar_prefetch = 1 : i64, scratch_operands = 3 : i64, tpu.core_type = #tpu.core_type<tc>, window_params = [{transform_indices = @transform_0, window_bounds = array<i64: 128, 768>}, {transform_indices = @transform_1, window_bounds = array<i64: 1, 1, 3072>}, {transform_indices = @transform_2, window_bounds = array<i64: 1, 1, 768>}, {transform_indices = @transform_3, window_bounds = array<i64: 128, 128>}, {}, {}, {transform_indices = @transform_6, window_bounds = array<i64: 128, 768>}]} {
    %get3A = arith.index_cast %arg0 : i32 to index
    %get3A_0 = memref.load %arg1[%get3A] : memref<32xi32, #tpu.memory_space<smem>>
    %get3A_1 = arith.constant 31 : index
    %get3A_2 = memref.load %arg1[%get3A_1] : memref<32xi32, #tpu.memory_space<smem>>
    %sub3A = arith.constant 1 : i32
    %sub3A_3 = arith.subi %arg0, %sub3A : i32
    %max3A = arith.constant 0 : i32
    %max3A_4 = arith.maxsi %sub3A_3, %max3A : i32
    %get3A_5 = arith.index_cast %max3A_4 : i32 to index
    %get3A_6 = memref.load %arg1[%get3A_5] : memref<32xi32, #tpu.memory_space<smem>>
    %eq3A = arith.constant 0 : i32
    %eq3A_7 = arith.cmpi eq, %arg0, %eq3A : i32
    %ne3A = arith.cmpi ne, %get3A_0, %get3A_6 : i32
    %or3A = arith.ori %eq3A_7, %ne3A : i1
    %rem3A = arith.constant 2 : i32
    %rem3A_8 = arith.remsi %get3A_0, %rem3A : i32
    %eq3A_9 = arith.constant 0 : i32
    %eq3A_10 = arith.cmpi eq, %arg0, %eq3A_9 : i32
    %convert_element_type3A = arith.extui %eq3A_10 : i1 to i32
    %cond3A = arith.constant 0 : i32
    %cond3A_11 = arith.cmpi ne, %convert_element_type3A, %cond3A : i32
    scf.if %cond3A_11 {
      %get3A_53 = arith.constant 23 : index
      %get3A_54 = memref.load %arg1[%get3A_53] : memref<32xi32, #tpu.memory_space<smem>>
      %dma_start3A = arith.constant 0 : i32
      %dma_start3A_55 = arith.constant 0 : i32
      %dma_start3A_56 = arith.constant 0 : i32
      %dma_start3A_57 = tpu.memref_slice %arg11[%dma_start3A_55, %dma_start3A_56] : memref<2x8x!tpu.dma_semaphore, #tpu.memory_space<semaphore_mem>> -> memref<1x1x!tpu.dma_semaphore, #tpu.memory_space<semaphore_mem>>
      %dma_start3A_58 = tpu.memref_squeeze %dma_start3A_57 : memref<1x1x!tpu.dma_semaphore, #tpu.memory_space<semaphore_mem>> -> memref<!tpu.dma_semaphore, #tpu.memory_space<semaphore_mem>>
      %dma_start3A_59 = arith.constant 0 : i32
      %dma_start3A_60 = arith.constant 0 : i32
      %dma_start3A_61 = tpu.memref_slice %arg9[%dma_start3A, %dma_start3A_59, %dma_start3A_60] : memref<2x768x3072xf32, #tpu.memory_space<vmem>> -> memref<1x192x3072xf32, #tpu.memory_space<vmem>>
      %dma_start3A_62 = tpu.memref_squeeze %dma_start3A_61 : memref<1x192x3072xf32, #tpu.memory_space<vmem>> -> memref<192x3072xf32, #tpu.memory_space<vmem>>
      %dma_start3A_63 = arith.constant 0 : i32
      %dma_start3A_64 = arith.constant 0 : i32
      %dma_start3A_65 = tpu.memref_slice %arg6[%get3A_54, %dma_start3A_63, %dma_start3A_64] : memref<8x768x3072xf32, #tpu.memory_space<any>> -> memref<1x192x3072xf32, #tpu.memory_space<any>>
      %dma_start3A_66 = tpu.memref_squeeze %dma_start3A_65 : memref<1x192x3072xf32, #tpu.memory_space<any>> -> memref<192x3072xf32, #tpu.memory_space<any>>
      tpu.enqueue_dma source(%dma_start3A_66 : memref<192x3072xf32, #tpu.memory_space<any>>) target(%dma_start3A_62 : memref<192x3072xf32, #tpu.memory_space<vmem>>) target_semaphore(%dma_start3A_58 : memref<!tpu.dma_semaphore, #tpu.memory_space<semaphore_mem>>)
      %dma_start3A_67 = arith.constant 0 : i32
      %dma_start3A_68 = arith.constant 0 : i32
      %dma_start3A_69 = arith.constant 1 : i32
      %dma_start3A_70 = tpu.memref_slice %arg11[%dma_start3A_68, %dma_start3A_69] : memref<2x8x!tpu.dma_semaphore, #tpu.memory_space<semaphore_mem>> -> memref<1x1x!tpu.dma_semaphore, #tpu.memory_space<semaphore_mem>>
      %dma_start3A_71 = tpu.memref_squeeze %dma_start3A_70 : memref<1x1x!tpu.dma_semaphore, #tpu.memory_space<semaphore_mem>> -> memref<!tpu.dma_semaphore, #tpu.memory_space<semaphore_mem>>
      %dma_start3A_72 = arith.constant 192 : i32
      %dma_start3A_73 = arith.constant 0 : i32
      %dma_start3A_74 = tpu.memref_slice %arg9[%dma_start3A_67, %dma_start3A_72, %dma_start3A_73] : memref<2x768x3072xf32, #tpu.memory_space<vmem>> -> memref<1x192x3072xf32, #tpu.memory_space<vmem>>
      %dma_start3A_75 = tpu.memref_squeeze %dma_start3A_74 : memref<1x192x3072xf32, #tpu.memory_space<vmem>> -> memref<192x3072xf32, #tpu.memory_space<vmem>>
      %dma_start3A_76 = arith.constant 192 : i32
      %dma_start3A_77 = arith.constant 0 : i32
      %dma_start3A_78 = tpu.memref_slice %arg6[%get3A_54, %dma_start3A_76, %dma_start3A_77] : memref<8x768x3072xf32, #tpu.memory_space<any>> -> memref<1x192x3072xf32, #tpu.memory_space<any>>
      %dma_start3A_79 = tpu.memref_squeeze %dma_start3A_78 : memref<1x192x3072xf32, #tpu.memory_space<any>> -> memref<192x3072xf32, #tpu.memory_space<any>>
      tpu.enqueue_dma source(%dma_start3A_79 : memref<192x3072xf32, #tpu.memory_space<any>>) target(%dma_start3A_75 : memref<192x3072xf32, #tpu.memory_space<vmem>>) target_semaphore(%dma_start3A_71 : memref<!tpu.dma_semaphore, #tpu.memory_space<semaphore_mem>>)
      %dma_start3A_80 = arith.constant 0 : i32
      %dma_start3A_81 = arith.constant 0 : i32
      %dma_start3A_82 = arith.constant 2 : i32
      %dma_start3A_83 = tpu.memref_slice %arg11[%dma_start3A_81, %dma_start3A_82] : memref<2x8x!tpu.dma_semaphore, #tpu.memory_space<semaphore_mem>> -> memref<1x1x!tpu.dma_semaphore, #tpu.memory_space<semaphore_mem>>
      %dma_start3A_84 = tpu.memref_squeeze %dma_start3A_83 : memref<1x1x!tpu.dma_semaphore, #tpu.memory_space<semaphore_mem>> -> memref<!tpu.dma_semaphore, #tpu.memory_space<semaphore_mem>>
      %dma_start3A_85 = arith.constant 384 : i32
      %dma_start3A_86 = arith.constant 0 : i32
      %dma_start3A_87 = tpu.memref_slice %arg9[%dma_start3A_80, %dma_start3A_85, %dma_start3A_86] : memref<2x768x3072xf32, #tpu.memory_space<vmem>> -> memref<1x192x3072xf32, #tpu.memory_space<vmem>>
      %dma_start3A_88 = tpu.memref_squeeze %dma_start3A_87 : memref<1x192x3072xf32, #tpu.memory_space<vmem>> -> memref<192x3072xf32, #tpu.memory_space<vmem>>
      %dma_start3A_89 = arith.constant 384 : i32
      %dma_start3A_90 = arith.constant 0 : i32
      %dma_start3A_91 = tpu.memref_slice %arg6[%get3A_54, %dma_start3A_89, %dma_start3A_90] : memref<8x768x3072xf32, #tpu.memory_space<any>> -> memref<1x192x3072xf32, #tpu.memory_space<any>>
      %dma_start3A_92 = tpu.memref_squeeze %dma_start3A_91 : memref<1x192x3072xf32, #tpu.memory_space<any>> -> memref<192x3072xf32, #tpu.memory_space<any>>
      tpu.enqueue_dma source(%dma_start3A_92 : memref<192x3072xf32, #tpu.memory_space<any>>) target(%dma_start3A_88 : memref<192x3072xf32, #tpu.memory_space<vmem>>) target_semaphore(%dma_start3A_84 : memref<!tpu.dma_semaphore, #tpu.memory_space<semaphore_mem>>)
      %dma_start3A_93 = arith.constant 0 : i32
      %dma_start3A_94 = arith.constant 0 : i32
      %dma_start3A_95 = arith.constant 3 : i32
      %dma_start3A_96 = tpu.memref_slice %arg11[%dma_start3A_94, %dma_start3A_95] : memref<2x8x!tpu.dma_semaphore, #tpu.memory_space<semaphore_mem>> -> memref<1x1x!tpu.dma_semaphore, #tpu.memory_space<semaphore_mem>>
      %dma_start3A_97 = tpu.memref_squeeze %dma_start3A_96 : memref<1x1x!tpu.dma_semaphore, #tpu.memory_space<semaphore_mem>> -> memref<!tpu.dma_semaphore, #tpu.memory_space<semaphore_mem>>
      %dma_start3A_98 = arith.constant 576 : i32
      %dma_start3A_99 = arith.constant 0 : i32
      %dma_start3A_100 = tpu.memref_slice %arg9[%dma_start3A_93, %dma_start3A_98, %dma_start3A_99] : memref<2x768x3072xf32, #tpu.memory_space<vmem>> -> memref<1x192x3072xf32, #tpu.memory_space<vmem>>
      %dma_start3A_101 = tpu.memref_squeeze %dma_start3A_100 : memref<1x192x3072xf32, #tpu.memory_space<vmem>> -> memref<192x3072xf32, #tpu.memory_space<vmem>>
      %dma_start3A_102 = arith.constant 576 : i32
      %dma_start3A_103 = arith.constant 0 : i32
      %dma_start3A_104 = tpu.memref_slice %arg6[%get3A_54, %dma_start3A_102, %dma_start3A_103] : memref<8x768x3072xf32, #tpu.memory_space<any>> -> memref<1x192x3072xf32, #tpu.memory_space<any>>
      %dma_start3A_105 = tpu.memref_squeeze %dma_start3A_104 : memref<1x192x3072xf32, #tpu.memory_space<any>> -> memref<192x3072xf32, #tpu.memory_space<any>>
      tpu.enqueue_dma source(%dma_start3A_105 : memref<192x3072xf32, #tpu.memory_space<any>>) target(%dma_start3A_101 : memref<192x3072xf32, #tpu.memory_space<vmem>>) target_semaphore(%dma_start3A_97 : memref<!tpu.dma_semaphore, #tpu.memory_space<semaphore_mem>>)
      %dma_start3A_106 = arith.constant 0 : i32
      %dma_start3A_107 = arith.constant 0 : i32
      %dma_start3A_108 = arith.constant 4 : i32
      %dma_start3A_109 = tpu.memref_slice %arg11[%dma_start3A_107, %dma_start3A_108] : memref<2x8x!tpu.dma_semaphore, #tpu.memory_space<semaphore_mem>> -> memref<1x1x!tpu.dma_semaphore, #tpu.memory_space<semaphore_mem>>
      %dma_start3A_110 = tpu.memref_squeeze %dma_start3A_109 : memref<1x1x!tpu.dma_semaphore, #tpu.memory_space<semaphore_mem>> -> memref<!tpu.dma_semaphore, #tpu.memory_space<semaphore_mem>>
      %dma_start3A_111 = arith.constant 0 : i32
      %dma_start3A_112 = arith.constant 0 : i32
      %dma_start3A_113 = tpu.memref_slice %arg10[%dma_start3A_106, %dma_start3A_111, %dma_start3A_112] : memref<2x3072x768xf32, #tpu.memory_space<vmem>> -> memref<1x768x768xf32, #tpu.memory_space<vmem>>
      %dma_start3A_114 = tpu.memref_squeeze %dma_start3A_113 : memref<1x768x768xf32, #tpu.memory_space<vmem>> -> memref<768x768xf32, #tpu.memory_space<vmem>>
      %dma_start3A_115 = arith.constant 0 : i32
      %dma_start3A_116 = arith.constant 0 : i32
      %dma_start3A_117 = tpu.memref_slice %arg7[%get3A_54, %dma_start3A_115, %dma_start3A_116] : memref<8x3072x768xf32, #tpu.memory_space<any>> -> memref<1x768x768xf32, #tpu.memory_space<any>>
      %dma_start3A_118 = tpu.memref_squeeze %dma_start3A_117 : memref<1x768x768xf32, #tpu.memory_space<any>> -> memref<768x768xf32, #tpu.memory_space<any>>
      tpu.enqueue_dma source(%dma_start3A_118 : memref<768x768xf32, #tpu.memory_space<any>>) target(%dma_start3A_114 : memref<768x768xf32, #tpu.memory_space<vmem>>) target_semaphore(%dma_start3A_110 : memref<!tpu.dma_semaphore, #tpu.memory_space<semaphore_mem>>)
      %dma_start3A_119 = arith.constant 0 : i32
      %dma_start3A_120 = arith.constant 0 : i32
      %dma_start3A_121 = arith.constant 5 : i32
      %dma_start3A_122 = tpu.memref_slice %arg11[%dma_start3A_120, %dma_start3A_121] : memref<2x8x!tpu.dma_semaphore, #tpu.memory_space<semaphore_mem>> -> memref<1x1x!tpu.dma_semaphore, #tpu.memory_space<semaphore_mem>>
      %dma_start3A_123 = tpu.memref_squeeze %dma_start3A_122 : memref<1x1x!tpu.dma_semaphore, #tpu.memory_space<semaphore_mem>> -> memref<!tpu.dma_semaphore, #tpu.memory_space<semaphore_mem>>
      %dma_start3A_124 = arith.constant 768 : i32
      %dma_start3A_125 = arith.constant 0 : i32
      %dma_start3A_126 = tpu.memref_slice %arg10[%dma_start3A_119, %dma_start3A_124, %dma_start3A_125] : memref<2x3072x768xf32, #tpu.memory_space<vmem>> -> memref<1x768x768xf32, #tpu.memory_space<vmem>>
      %dma_start3A_127 = tpu.memref_squeeze %dma_start3A_126 : memref<1x768x768xf32, #tpu.memory_space<vmem>> -> memref<768x768xf32, #tpu.memory_space<vmem>>
      %dma_start3A_128 = arith.constant 768 : i32
      %dma_start3A_129 = arith.constant 0 : i32
      %dma_start3A_130 = tpu.memref_slice %arg7[%get3A_54, %dma_start3A_128, %dma_start3A_129] : memref<8x3072x768xf32, #tpu.memory_space<any>> -> memref<1x768x768xf32, #tpu.memory_space<any>>
      %dma_start3A_131 = tpu.memref_squeeze %dma_start3A_130 : memref<1x768x768xf32, #tpu.memory_space<any>> -> memref<768x768xf32, #tpu.memory_space<any>>
      tpu.enqueue_dma source(%dma_start3A_131 : memref<768x768xf32, #tpu.memory_space<any>>) target(%dma_start3A_127 : memref<768x768xf32, #tpu.memory_space<vmem>>) target_semaphore(%dma_start3A_123 : memref<!tpu.dma_semaphore, #tpu.memory_space<semaphore_mem>>)
      %dma_start3A_132 = arith.constant 0 : i32
      %dma_start3A_133 = arith.constant 0 : i32
      %dma_start3A_134 = arith.constant 6 : i32
      %dma_start3A_135 = tpu.memref_slice %arg11[%dma_start3A_133, %dma_start3A_134] : memref<2x8x!tpu.dma_semaphore, #tpu.memory_space<semaphore_mem>> -> memref<1x1x!tpu.dma_semaphore, #tpu.memory_space<semaphore_mem>>
      %dma_start3A_136 = tpu.memref_squeeze %dma_start3A_135 : memref<1x1x!tpu.dma_semaphore, #tpu.memory_space<semaphore_mem>> -> memref<!tpu.dma_semaphore, #tpu.memory_space<semaphore_mem>>
      %dma_start3A_137 = arith.constant 1536 : i32
      %dma_start3A_138 = arith.constant 0 : i32
      %dma_start3A_139 = tpu.memref_slice %arg10[%dma_start3A_132, %dma_start3A_137, %dma_start3A_138] : memref<2x3072x768xf32, #tpu.memory_space<vmem>> -> memref<1x768x768xf32, #tpu.memory_space<vmem>>
      %dma_start3A_140 = tpu.memref_squeeze %dma_start3A_139 : memref<1x768x768xf32, #tpu.memory_space<vmem>> -> memref<768x768xf32, #tpu.memory_space<vmem>>
      %dma_start3A_141 = arith.constant 1536 : i32
      %dma_start3A_142 = arith.constant 0 : i32
      %dma_start3A_143 = tpu.memref_slice %arg7[%get3A_54, %dma_start3A_141, %dma_start3A_142] : memref<8x3072x768xf32, #tpu.memory_space<any>> -> memref<1x768x768xf32, #tpu.memory_space<any>>
      %dma_start3A_144 = tpu.memref_squeeze %dma_start3A_143 : memref<1x768x768xf32, #tpu.memory_space<any>> -> memref<768x768xf32, #tpu.memory_space<any>>
      tpu.enqueue_dma source(%dma_start3A_144 : memref<768x768xf32, #tpu.memory_space<any>>) target(%dma_start3A_140 : memref<768x768xf32, #tpu.memory_space<vmem>>) target_semaphore(%dma_start3A_136 : memref<!tpu.dma_semaphore, #tpu.memory_space<semaphore_mem>>)
      %dma_start3A_145 = arith.constant 0 : i32
      %dma_start3A_146 = arith.constant 0 : i32
      %dma_start3A_147 = arith.constant 7 : i32
      %dma_start3A_148 = tpu.memref_slice %arg11[%dma_start3A_146, %dma_start3A_147] : memref<2x8x!tpu.dma_semaphore, #tpu.memory_space<semaphore_mem>> -> memref<1x1x!tpu.dma_semaphore, #tpu.memory_space<semaphore_mem>>
      %dma_start3A_149 = tpu.memref_squeeze %dma_start3A_148 : memref<1x1x!tpu.dma_semaphore, #tpu.memory_space<semaphore_mem>> -> memref<!tpu.dma_semaphore, #tpu.memory_space<semaphore_mem>>
      %dma_start3A_150 = arith.constant 2304 : i32
      %dma_start3A_151 = arith.constant 0 : i32
      %dma_start3A_152 = tpu.memref_slice %arg10[%dma_start3A_145, %dma_start3A_150, %dma_start3A_151] : memref<2x3072x768xf32, #tpu.memory_space<vmem>> -> memref<1x768x768xf32, #tpu.memory_space<vmem>>
      %dma_start3A_153 = tpu.memref_squeeze %dma_start3A_152 : memref<1x768x768xf32, #tpu.memory_space<vmem>> -> memref<768x768xf32, #tpu.memory_space<vmem>>
      %dma_start3A_154 = arith.constant 2304 : i32
      %dma_start3A_155 = arith.constant 0 : i32
      %dma_start3A_156 = tpu.memref_slice %arg7[%get3A_54, %dma_start3A_154, %dma_start3A_155] : memref<8x3072x768xf32, #tpu.memory_space<any>> -> memref<1x768x768xf32, #tpu.memory_space<any>>
      %dma_start3A_157 = tpu.memref_squeeze %dma_start3A_156 : memref<1x768x768xf32, #tpu.memory_space<any>> -> memref<768x768xf32, #tpu.memory_space<any>>
      tpu.enqueue_dma source(%dma_start3A_157 : memref<768x768xf32, #tpu.memory_space<any>>) target(%dma_start3A_153 : memref<768x768xf32, #tpu.memory_space<vmem>>) target_semaphore(%dma_start3A_149 : memref<!tpu.dma_semaphore, #tpu.memory_space<semaphore_mem>>)
      %gt3A = arith.constant 1 : i32
      %gt3A_158 = arith.cmpi sgt, %get3A_2, %gt3A : i32
      %convert_element_type3A_159 = arith.extui %gt3A_158 : i1 to i32
      %cond3A_160 = arith.constant 0 : i32
      %cond3A_161 = arith.cmpi ne, %convert_element_type3A_159, %cond3A_160 : i32
      scf.if %cond3A_161 {
        %get3A_162 = arith.constant 24 : index
        %get3A_163 = memref.load %arg1[%get3A_162] : memref<32xi32, #tpu.memory_space<smem>>
        %dma_start3A_164 = arith.constant 1 : i32
        %dma_start3A_165 = arith.constant 1 : i32
        %dma_start3A_166 = arith.constant 0 : i32
        %dma_start3A_167 = tpu.memref_slice %arg11[%dma_start3A_165, %dma_start3A_166] : memref<2x8x!tpu.dma_semaphore, #tpu.memory_space<semaphore_mem>> -> memref<1x1x!tpu.dma_semaphore, #tpu.memory_space<semaphore_mem>>
        %dma_start3A_168 = tpu.memref_squeeze %dma_start3A_167 : memref<1x1x!tpu.dma_semaphore, #tpu.memory_space<semaphore_mem>> -> memref<!tpu.dma_semaphore, #tpu.memory_space<semaphore_mem>>
        %dma_start3A_169 = arith.constant 0 : i32
        %dma_start3A_170 = arith.constant 0 : i32
        %dma_start3A_171 = tpu.memref_slice %arg9[%dma_start3A_164, %dma_start3A_169, %dma_start3A_170] : memref<2x768x3072xf32, #tpu.memory_space<vmem>> -> memref<1x192x3072xf32, #tpu.memory_space<vmem>>
        %dma_start3A_172 = tpu.memref_squeeze %dma_start3A_171 : memref<1x192x3072xf32, #tpu.memory_space<vmem>> -> memref<192x3072xf32, #tpu.memory_space<vmem>>
        %dma_start3A_173 = arith.constant 0 : i32
        %dma_start3A_174 = arith.constant 0 : i32
        %dma_start3A_175 = tpu.memref_slice %arg6[%get3A_163, %dma_start3A_173, %dma_start3A_174] : memref<8x768x3072xf32, #tpu.memory_space<any>> -> memref<1x192x3072xf32, #tpu.memory_space<any>>
        %dma_start3A_176 = tpu.memref_squeeze %dma_start3A_175 : memref<1x192x3072xf32, #tpu.memory_space<any>> -> memref<192x3072xf32, #tpu.memory_space<any>>
        tpu.enqueue_dma source(%dma_start3A_176 : memref<192x3072xf32, #tpu.memory_space<any>>) target(%dma_start3A_172 : memref<192x3072xf32, #tpu.memory_space<vmem>>) target_semaphore(%dma_start3A_168 : memref<!tpu.dma_semaphore, #tpu.memory_space<semaphore_mem>>)
        %dma_start3A_177 = arith.constant 1 : i32
        %dma_start3A_178 = arith.constant 1 : i32
        %dma_start3A_179 = arith.constant 1 : i32
        %dma_start3A_180 = tpu.memref_slice %arg11[%dma_start3A_178, %dma_start3A_179] : memref<2x8x!tpu.dma_semaphore, #tpu.memory_space<semaphore_mem>> -> memref<1x1x!tpu.dma_semaphore, #tpu.memory_space<semaphore_mem>>
        %dma_start3A_181 = tpu.memref_squeeze %dma_start3A_180 : memref<1x1x!tpu.dma_semaphore, #tpu.memory_space<semaphore_mem>> -> memref<!tpu.dma_semaphore, #tpu.memory_space<semaphore_mem>>
        %dma_start3A_182 = arith.constant 192 : i32
        %dma_start3A_183 = arith.constant 0 : i32
        %dma_start3A_184 = tpu.memref_slice %arg9[%dma_start3A_177, %dma_start3A_182, %dma_start3A_183] : memref<2x768x3072xf32, #tpu.memory_space<vmem>> -> memref<1x192x3072xf32, #tpu.memory_space<vmem>>
        %dma_start3A_185 = tpu.memref_squeeze %dma_start3A_184 : memref<1x192x3072xf32, #tpu.memory_space<vmem>> -> memref<192x3072xf32, #tpu.memory_space<vmem>>
        %dma_start3A_186 = arith.constant 192 : i32
        %dma_start3A_187 = arith.constant 0 : i32
        %dma_start3A_188 = tpu.memref_slice %arg6[%get3A_163, %dma_start3A_186, %dma_start3A_187] : memref<8x768x3072xf32, #tpu.memory_space<any>> -> memref<1x192x3072xf32, #tpu.memory_space<any>>
        %dma_start3A_189 = tpu.memref_squeeze %dma_start3A_188 : memref<1x192x3072xf32, #tpu.memory_space<any>> -> memref<192x3072xf32, #tpu.memory_space<any>>
        tpu.enqueue_dma source(%dma_start3A_189 : memref<192x3072xf32, #tpu.memory_space<any>>) target(%dma_start3A_185 : memref<192x3072xf32, #tpu.memory_space<vmem>>) target_semaphore(%dma_start3A_181 : memref<!tpu.dma_semaphore, #tpu.memory_space<semaphore_mem>>)
        %dma_start3A_190 = arith.constant 1 : i32
        %dma_start3A_191 = arith.constant 1 : i32
        %dma_start3A_192 = arith.constant 2 : i32
        %dma_start3A_193 = tpu.memref_slice %arg11[%dma_start3A_191, %dma_start3A_192] : memref<2x8x!tpu.dma_semaphore, #tpu.memory_space<semaphore_mem>> -> memref<1x1x!tpu.dma_semaphore, #tpu.memory_space<semaphore_mem>>
        %dma_start3A_194 = tpu.memref_squeeze %dma_start3A_193 : memref<1x1x!tpu.dma_semaphore, #tpu.memory_space<semaphore_mem>> -> memref<!tpu.dma_semaphore, #tpu.memory_space<semaphore_mem>>
        %dma_start3A_195 = arith.constant 384 : i32
        %dma_start3A_196 = arith.constant 0 : i32
        %dma_start3A_197 = tpu.memref_slice %arg9[%dma_start3A_190, %dma_start3A_195, %dma_start3A_196] : memref<2x768x3072xf32, #tpu.memory_space<vmem>> -> memref<1x192x3072xf32, #tpu.memory_space<vmem>>
        %dma_start3A_198 = tpu.memref_squeeze %dma_start3A_197 : memref<1x192x3072xf32, #tpu.memory_space<vmem>> -> memref<192x3072xf32, #tpu.memory_space<vmem>>
        %dma_start3A_199 = arith.constant 384 : i32
        %dma_start3A_200 = arith.constant 0 : i32
        %dma_start3A_201 = tpu.memref_slice %arg6[%get3A_163, %dma_start3A_199, %dma_start3A_200] : memref<8x768x3072xf32, #tpu.memory_space<any>> -> memref<1x192x3072xf32, #tpu.memory_space<any>>
        %dma_start3A_202 = tpu.memref_squeeze %dma_start3A_201 : memref<1x192x3072xf32, #tpu.memory_space<any>> -> memref<192x3072xf32, #tpu.memory_space<any>>
        tpu.enqueue_dma source(%dma_start3A_202 : memref<192x3072xf32, #tpu.memory_space<any>>) target(%dma_start3A_198 : memref<192x3072xf32, #tpu.memory_space<vmem>>) target_semaphore(%dma_start3A_194 : memref<!tpu.dma_semaphore, #tpu.memory_space<semaphore_mem>>)
        %dma_start3A_203 = arith.constant 1 : i32
        %dma_start3A_204 = arith.constant 1 : i32
        %dma_start3A_205 = arith.constant 3 : i32
        %dma_start3A_206 = tpu.memref_slice %arg11[%dma_start3A_204, %dma_start3A_205] : memref<2x8x!tpu.dma_semaphore, #tpu.memory_space<semaphore_mem>> -> memref<1x1x!tpu.dma_semaphore, #tpu.memory_space<semaphore_mem>>
        %dma_start3A_207 = tpu.memref_squeeze %dma_start3A_206 : memref<1x1x!tpu.dma_semaphore, #tpu.memory_space<semaphore_mem>> -> memref<!tpu.dma_semaphore, #tpu.memory_space<semaphore_mem>>
        %dma_start3A_208 = arith.constant 576 : i32
        %dma_start3A_209 = arith.constant 0 : i32
        %dma_start3A_210 = tpu.memref_slice %arg9[%dma_start3A_203, %dma_start3A_208, %dma_start3A_209] : memref<2x768x3072xf32, #tpu.memory_space<vmem>> -> memref<1x192x3072xf32, #tpu.memory_space<vmem>>
        %dma_start3A_211 = tpu.memref_squeeze %dma_start3A_210 : memref<1x192x3072xf32, #tpu.memory_space<vmem>> -> memref<192x3072xf32, #tpu.memory_space<vmem>>
        %dma_start3A_212 = arith.constant 576 : i32
        %dma_start3A_213 = arith.constant 0 : i32
        %dma_start3A_214 = tpu.memref_slice %arg6[%get3A_163, %dma_start3A_212, %dma_start3A_213] : memref<8x768x3072xf32, #tpu.memory_space<any>> -> memref<1x192x3072xf32, #tpu.memory_space<any>>
        %dma_start3A_215 = tpu.memref_squeeze %dma_start3A_214 : memref<1x192x3072xf32, #tpu.memory_space<any>> -> memref<192x3072xf32, #tpu.memory_space<any>>
        tpu.enqueue_dma source(%dma_start3A_215 : memref<192x3072xf32, #tpu.memory_space<any>>) target(%dma_start3A_211 : memref<192x3072xf32, #tpu.memory_space<vmem>>) target_semaphore(%dma_start3A_207 : memref<!tpu.dma_semaphore, #tpu.memory_space<semaphore_mem>>)
        %dma_start3A_216 = arith.constant 1 : i32
        %dma_start3A_217 = arith.constant 1 : i32
        %dma_start3A_218 = arith.constant 4 : i32
        %dma_start3A_219 = tpu.memref_slice %arg11[%dma_start3A_217, %dma_start3A_218] : memref<2x8x!tpu.dma_semaphore, #tpu.memory_space<semaphore_mem>> -> memref<1x1x!tpu.dma_semaphore, #tpu.memory_space<semaphore_mem>>
        %dma_start3A_220 = tpu.memref_squeeze %dma_start3A_219 : memref<1x1x!tpu.dma_semaphore, #tpu.memory_space<semaphore_mem>> -> memref<!tpu.dma_semaphore, #tpu.memory_space<semaphore_mem>>
        %dma_start3A_221 = arith.constant 0 : i32
        %dma_start3A_222 = arith.constant 0 : i32
        %dma_start3A_223 = tpu.memref_slice %arg10[%dma_start3A_216, %dma_start3A_221, %dma_start3A_222] : memref<2x3072x768xf32, #tpu.memory_space<vmem>> -> memref<1x768x768xf32, #tpu.memory_space<vmem>>
        %dma_start3A_224 = tpu.memref_squeeze %dma_start3A_223 : memref<1x768x768xf32, #tpu.memory_space<vmem>> -> memref<768x768xf32, #tpu.memory_space<vmem>>
        %dma_start3A_225 = arith.constant 0 : i32
        %dma_start3A_226 = arith.constant 0 : i32
        %dma_start3A_227 = tpu.memref_slice %arg7[%get3A_163, %dma_start3A_225, %dma_start3A_226] : memref<8x3072x768xf32, #tpu.memory_space<any>> -> memref<1x768x768xf32, #tpu.memory_space<any>>
        %dma_start3A_228 = tpu.memref_squeeze %dma_start3A_227 : memref<1x768x768xf32, #tpu.memory_space<any>> -> memref<768x768xf32, #tpu.memory_space<any>>
        tpu.enqueue_dma source(%dma_start3A_228 : memref<768x768xf32, #tpu.memory_space<any>>) target(%dma_start3A_224 : memref<768x768xf32, #tpu.memory_space<vmem>>) target_semaphore(%dma_start3A_220 : memref<!tpu.dma_semaphore, #tpu.memory_space<semaphore_mem>>)
        %dma_start3A_229 = arith.constant 1 : i32
        %dma_start3A_230 = arith.constant 1 : i32
        %dma_start3A_231 = arith.constant 5 : i32
        %dma_start3A_232 = tpu.memref_slice %arg11[%dma_start3A_230, %dma_start3A_231] : memref<2x8x!tpu.dma_semaphore, #tpu.memory_space<semaphore_mem>> -> memref<1x1x!tpu.dma_semaphore, #tpu.memory_space<semaphore_mem>>
        %dma_start3A_233 = tpu.memref_squeeze %dma_start3A_232 : memref<1x1x!tpu.dma_semaphore, #tpu.memory_space<semaphore_mem>> -> memref<!tpu.dma_semaphore, #tpu.memory_space<semaphore_mem>>
        %dma_start3A_234 = arith.constant 768 : i32
        %dma_start3A_235 = arith.constant 0 : i32
        %dma_start3A_236 = tpu.memref_slice %arg10[%dma_start3A_229, %dma_start3A_234, %dma_start3A_235] : memref<2x3072x768xf32, #tpu.memory_space<vmem>> -> memref<1x768x768xf32, #tpu.memory_space<vmem>>
        %dma_start3A_237 = tpu.memref_squeeze %dma_start3A_236 : memref<1x768x768xf32, #tpu.memory_space<vmem>> -> memref<768x768xf32, #tpu.memory_space<vmem>>
        %dma_start3A_238 = arith.constant 768 : i32
        %dma_start3A_239 = arith.constant 0 : i32
        %dma_start3A_240 = tpu.memref_slice %arg7[%get3A_163, %dma_start3A_238, %dma_start3A_239] : memref<8x3072x768xf32, #tpu.memory_space<any>> -> memref<1x768x768xf32, #tpu.memory_space<any>>
        %dma_start3A_241 = tpu.memref_squeeze %dma_start3A_240 : memref<1x768x768xf32, #tpu.memory_space<any>> -> memref<768x768xf32, #tpu.memory_space<any>>
        tpu.enqueue_dma source(%dma_start3A_241 : memref<768x768xf32, #tpu.memory_space<any>>) target(%dma_start3A_237 : memref<768x768xf32, #tpu.memory_space<vmem>>) target_semaphore(%dma_start3A_233 : memref<!tpu.dma_semaphore, #tpu.memory_space<semaphore_mem>>)
        %dma_start3A_242 = arith.constant 1 : i32
        %dma_start3A_243 = arith.constant 1 : i32
        %dma_start3A_244 = arith.constant 6 : i32
        %dma_start3A_245 = tpu.memref_slice %arg11[%dma_start3A_243, %dma_start3A_244] : memref<2x8x!tpu.dma_semaphore, #tpu.memory_space<semaphore_mem>> -> memref<1x1x!tpu.dma_semaphore, #tpu.memory_space<semaphore_mem>>
        %dma_start3A_246 = tpu.memref_squeeze %dma_start3A_245 : memref<1x1x!tpu.dma_semaphore, #tpu.memory_space<semaphore_mem>> -> memref<!tpu.dma_semaphore, #tpu.memory_space<semaphore_mem>>
        %dma_start3A_247 = arith.constant 1536 : i32
        %dma_start3A_248 = arith.constant 0 : i32
        %dma_start3A_249 = tpu.memref_slice %arg10[%dma_start3A_242, %dma_start3A_247, %dma_start3A_248] : memref<2x3072x768xf32, #tpu.memory_space<vmem>> -> memref<1x768x768xf32, #tpu.memory_space<vmem>>
        %dma_start3A_250 = tpu.memref_squeeze %dma_start3A_249 : memref<1x768x768xf32, #tpu.memory_space<vmem>> -> memref<768x768xf32, #tpu.memory_space<vmem>>
        %dma_start3A_251 = arith.constant 1536 : i32
        %dma_start3A_252 = arith.constant 0 : i32
        %dma_start3A_253 = tpu.memref_slice %arg7[%get3A_163, %dma_start3A_251, %dma_start3A_252] : memref<8x3072x768xf32, #tpu.memory_space<any>> -> memref<1x768x768xf32, #tpu.memory_space<any>>
        %dma_start3A_254 = tpu.memref_squeeze %dma_start3A_253 : memref<1x768x768xf32, #tpu.memory_space<any>> -> memref<768x768xf32, #tpu.memory_space<any>>
        tpu.enqueue_dma source(%dma_start3A_254 : memref<768x768xf32, #tpu.memory_space<any>>) target(%dma_start3A_250 : memref<768x768xf32, #tpu.memory_space<vmem>>) target_semaphore(%dma_start3A_246 : memref<!tpu.dma_semaphore, #tpu.memory_space<semaphore_mem>>)
        %dma_start3A_255 = arith.constant 1 : i32
        %dma_start3A_256 = arith.constant 1 : i32
        %dma_start3A_257 = arith.constant 7 : i32
        %dma_start3A_258 = tpu.memref_slice %arg11[%dma_start3A_256, %dma_start3A_257] : memref<2x8x!tpu.dma_semaphore, #tpu.memory_space<semaphore_mem>> -> memref<1x1x!tpu.dma_semaphore, #tpu.memory_space<semaphore_mem>>
        %dma_start3A_259 = tpu.memref_squeeze %dma_start3A_258 : memref<1x1x!tpu.dma_semaphore, #tpu.memory_space<semaphore_mem>> -> memref<!tpu.dma_semaphore, #tpu.memory_space<semaphore_mem>>
        %dma_start3A_260 = arith.constant 2304 : i32
        %dma_start3A_261 = arith.constant 0 : i32
        %dma_start3A_262 = tpu.memref_slice %arg10[%dma_start3A_255, %dma_start3A_260, %dma_start3A_261] : memref<2x3072x768xf32, #tpu.memory_space<vmem>> -> memref<1x768x768xf32, #tpu.memory_space<vmem>>
        %dma_start3A_263 = tpu.memref_squeeze %dma_start3A_262 : memref<1x768x768xf32, #tpu.memory_space<vmem>> -> memref<768x768xf32, #tpu.memory_space<vmem>>
        %dma_start3A_264 = arith.constant 2304 : i32
        %dma_start3A_265 = arith.constant 0 : i32
        %dma_start3A_266 = tpu.memref_slice %arg7[%get3A_163, %dma_start3A_264, %dma_start3A_265] : memref<8x3072x768xf32, #tpu.memory_space<any>> -> memref<1x768x768xf32, #tpu.memory_space<any>>
        %dma_start3A_267 = tpu.memref_squeeze %dma_start3A_266 : memref<1x768x768xf32, #tpu.memory_space<any>> -> memref<768x768xf32, #tpu.memory_space<any>>
        tpu.enqueue_dma source(%dma_start3A_267 : memref<768x768xf32, #tpu.memory_space<any>>) target(%dma_start3A_263 : memref<768x768xf32, #tpu.memory_space<vmem>>) target_semaphore(%dma_start3A_259 : memref<!tpu.dma_semaphore, #tpu.memory_space<semaphore_mem>>)
      } else {
      }
    } else {
    }
    %convert_element_type3A_12 = arith.extui %or3A : i1 to i32
    %cond3A_13 = arith.constant 0 : i32
    %cond3A_14 = arith.cmpi ne, %convert_element_type3A_12, %cond3A_13 : i32
    scf.if %cond3A_14 {
      %ge3A = arith.constant 1 : i32
      %ge3A_53 = arith.cmpi sge, %get3A_0, %ge3A : i32
      %add3A_54 = arith.constant 1 : i32
      %add3A_55 = arith.addi %get3A_0, %add3A_54 : i32
      %lt3A = arith.cmpi slt, %add3A_55, %get3A_2 : i32
      %and3A = arith.andi %ge3A_53, %lt3A : i1
      %convert_element_type3A_56 = arith.extui %and3A : i1 to i32
      %cond3A_57 = arith.constant 0 : i32
      %cond3A_58 = arith.cmpi ne, %convert_element_type3A_56, %cond3A_57 : i32
      scf.if %cond3A_58 {
        %add3A_150 = arith.constant 23 : i32
        %add3A_151 = arith.addi %add3A_150, %get3A_0 : i32
        %add3A_152 = arith.constant 1 : i32
        %add3A_153 = arith.addi %add3A_151, %add3A_152 : i32
        %get3A_154 = arith.index_cast %add3A_153 : i32 to index
        %get3A_155 = memref.load %arg1[%get3A_154] : memref<32xi32, #tpu.memory_space<smem>>
        %sub3A_156 = arith.constant 1 : i32
        %sub3A_157 = arith.subi %sub3A_156, %rem3A_8 : i32
        %dma_start3A = arith.constant 0 : i32
        %dma_start3A_158 = tpu.memref_slice %arg11[%sub3A_157, %dma_start3A] : memref<2x8x!tpu.dma_semaphore, #tpu.memory_space<semaphore_mem>> -> memref<1x1x!tpu.dma_semaphore, #tpu.memory_space<semaphore_mem>>
        %dma_start3A_159 = tpu.memref_squeeze %dma_start3A_158 : memref<1x1x!tpu.dma_semaphore, #tpu.memory_space<semaphore_mem>> -> memref<!tpu.dma_semaphore, #tpu.memory_space<semaphore_mem>>
        %dma_start3A_160 = arith.constant 0 : i32
        %dma_start3A_161 = arith.constant 0 : i32
        %dma_start3A_162 = tpu.memref_slice %arg9[%sub3A_157, %dma_start3A_160, %dma_start3A_161] : memref<2x768x3072xf32, #tpu.memory_space<vmem>> -> memref<1x192x3072xf32, #tpu.memory_space<vmem>>
        %dma_start3A_163 = tpu.memref_squeeze %dma_start3A_162 : memref<1x192x3072xf32, #tpu.memory_space<vmem>> -> memref<192x3072xf32, #tpu.memory_space<vmem>>
        %dma_start3A_164 = arith.constant 0 : i32
        %dma_start3A_165 = arith.constant 0 : i32
        %dma_start3A_166 = tpu.memref_slice %arg6[%get3A_155, %dma_start3A_164, %dma_start3A_165] : memref<8x768x3072xf32, #tpu.memory_space<any>> -> memref<1x192x3072xf32, #tpu.memory_space<any>>
        %dma_start3A_167 = tpu.memref_squeeze %dma_start3A_166 : memref<1x192x3072xf32, #tpu.memory_space<any>> -> memref<192x3072xf32, #tpu.memory_space<any>>
        tpu.enqueue_dma source(%dma_start3A_167 : memref<192x3072xf32, #tpu.memory_space<any>>) target(%dma_start3A_163 : memref<192x3072xf32, #tpu.memory_space<vmem>>) target_semaphore(%dma_start3A_159 : memref<!tpu.dma_semaphore, #tpu.memory_space<semaphore_mem>>)
        %dma_start3A_168 = arith.constant 1 : i32
        %dma_start3A_169 = tpu.memref_slice %arg11[%sub3A_157, %dma_start3A_168] : memref<2x8x!tpu.dma_semaphore, #tpu.memory_space<semaphore_mem>> -> memref<1x1x!tpu.dma_semaphore, #tpu.memory_space<semaphore_mem>>
        %dma_start3A_170 = tpu.memref_squeeze %dma_start3A_169 : memref<1x1x!tpu.dma_semaphore, #tpu.memory_space<semaphore_mem>> -> memref<!tpu.dma_semaphore, #tpu.memory_space<semaphore_mem>>
        %dma_start3A_171 = arith.constant 192 : i32
        %dma_start3A_172 = arith.constant 0 : i32
        %dma_start3A_173 = tpu.memref_slice %arg9[%sub3A_157, %dma_start3A_171, %dma_start3A_172] : memref<2x768x3072xf32, #tpu.memory_space<vmem>> -> memref<1x192x3072xf32, #tpu.memory_space<vmem>>
        %dma_start3A_174 = tpu.memref_squeeze %dma_start3A_173 : memref<1x192x3072xf32, #tpu.memory_space<vmem>> -> memref<192x3072xf32, #tpu.memory_space<vmem>>
        %dma_start3A_175 = arith.constant 192 : i32
        %dma_start3A_176 = arith.constant 0 : i32
        %dma_start3A_177 = tpu.memref_slice %arg6[%get3A_155, %dma_start3A_175, %dma_start3A_176] : memref<8x768x3072xf32, #tpu.memory_space<any>> -> memref<1x192x3072xf32, #tpu.memory_space<any>>
        %dma_start3A_178 = tpu.memref_squeeze %dma_start3A_177 : memref<1x192x3072xf32, #tpu.memory_space<any>> -> memref<192x3072xf32, #tpu.memory_space<any>>
        tpu.enqueue_dma source(%dma_start3A_178 : memref<192x3072xf32, #tpu.memory_space<any>>) target(%dma_start3A_174 : memref<192x3072xf32, #tpu.memory_space<vmem>>) target_semaphore(%dma_start3A_170 : memref<!tpu.dma_semaphore, #tpu.memory_space<semaphore_mem>>)
        %dma_start3A_179 = arith.constant 2 : i32
        %dma_start3A_180 = tpu.memref_slice %arg11[%sub3A_157, %dma_start3A_179] : memref<2x8x!tpu.dma_semaphore, #tpu.memory_space<semaphore_mem>> -> memref<1x1x!tpu.dma_semaphore, #tpu.memory_space<semaphore_mem>>
        %dma_start3A_181 = tpu.memref_squeeze %dma_start3A_180 : memref<1x1x!tpu.dma_semaphore, #tpu.memory_space<semaphore_mem>> -> memref<!tpu.dma_semaphore, #tpu.memory_space<semaphore_mem>>
        %dma_start3A_182 = arith.constant 384 : i32
        %dma_start3A_183 = arith.constant 0 : i32
        %dma_start3A_184 = tpu.memref_slice %arg9[%sub3A_157, %dma_start3A_182, %dma_start3A_183] : memref<2x768x3072xf32, #tpu.memory_space<vmem>> -> memref<1x192x3072xf32, #tpu.memory_space<vmem>>
        %dma_start3A_185 = tpu.memref_squeeze %dma_start3A_184 : memref<1x192x3072xf32, #tpu.memory_space<vmem>> -> memref<192x3072xf32, #tpu.memory_space<vmem>>
        %dma_start3A_186 = arith.constant 384 : i32
        %dma_start3A_187 = arith.constant 0 : i32
        %dma_start3A_188 = tpu.memref_slice %arg6[%get3A_155, %dma_start3A_186, %dma_start3A_187] : memref<8x768x3072xf32, #tpu.memory_space<any>> -> memref<1x192x3072xf32, #tpu.memory_space<any>>
        %dma_start3A_189 = tpu.memref_squeeze %dma_start3A_188 : memref<1x192x3072xf32, #tpu.memory_space<any>> -> memref<192x3072xf32, #tpu.memory_space<any>>
        tpu.enqueue_dma source(%dma_start3A_189 : memref<192x3072xf32, #tpu.memory_space<any>>) target(%dma_start3A_185 : memref<192x3072xf32, #tpu.memory_space<vmem>>) target_semaphore(%dma_start3A_181 : memref<!tpu.dma_semaphore, #tpu.memory_space<semaphore_mem>>)
        %dma_start3A_190 = arith.constant 3 : i32
        %dma_start3A_191 = tpu.memref_slice %arg11[%sub3A_157, %dma_start3A_190] : memref<2x8x!tpu.dma_semaphore, #tpu.memory_space<semaphore_mem>> -> memref<1x1x!tpu.dma_semaphore, #tpu.memory_space<semaphore_mem>>
        %dma_start3A_192 = tpu.memref_squeeze %dma_start3A_191 : memref<1x1x!tpu.dma_semaphore, #tpu.memory_space<semaphore_mem>> -> memref<!tpu.dma_semaphore, #tpu.memory_space<semaphore_mem>>
        %dma_start3A_193 = arith.constant 576 : i32
        %dma_start3A_194 = arith.constant 0 : i32
        %dma_start3A_195 = tpu.memref_slice %arg9[%sub3A_157, %dma_start3A_193, %dma_start3A_194] : memref<2x768x3072xf32, #tpu.memory_space<vmem>> -> memref<1x192x3072xf32, #tpu.memory_space<vmem>>
        %dma_start3A_196 = tpu.memref_squeeze %dma_start3A_195 : memref<1x192x3072xf32, #tpu.memory_space<vmem>> -> memref<192x3072xf32, #tpu.memory_space<vmem>>
        %dma_start3A_197 = arith.constant 576 : i32
        %dma_start3A_198 = arith.constant 0 : i32
        %dma_start3A_199 = tpu.memref_slice %arg6[%get3A_155, %dma_start3A_197, %dma_start3A_198] : memref<8x768x3072xf32, #tpu.memory_space<any>> -> memref<1x192x3072xf32, #tpu.memory_space<any>>
        %dma_start3A_200 = tpu.memref_squeeze %dma_start3A_199 : memref<1x192x3072xf32, #tpu.memory_space<any>> -> memref<192x3072xf32, #tpu.memory_space<any>>
        tpu.enqueue_dma source(%dma_start3A_200 : memref<192x3072xf32, #tpu.memory_space<any>>) target(%dma_start3A_196 : memref<192x3072xf32, #tpu.memory_space<vmem>>) target_semaphore(%dma_start3A_192 : memref<!tpu.dma_semaphore, #tpu.memory_space<semaphore_mem>>)
        %dma_start3A_201 = arith.constant 4 : i32
        %dma_start3A_202 = tpu.memref_slice %arg11[%sub3A_157, %dma_start3A_201] : memref<2x8x!tpu.dma_semaphore, #tpu.memory_space<semaphore_mem>> -> memref<1x1x!tpu.dma_semaphore, #tpu.memory_space<semaphore_mem>>
        %dma_start3A_203 = tpu.memref_squeeze %dma_start3A_202 : memref<1x1x!tpu.dma_semaphore, #tpu.memory_space<semaphore_mem>> -> memref<!tpu.dma_semaphore, #tpu.memory_space<semaphore_mem>>
        %dma_start3A_204 = arith.constant 0 : i32
        %dma_start3A_205 = arith.constant 0 : i32
        %dma_start3A_206 = tpu.memref_slice %arg10[%sub3A_157, %dma_start3A_204, %dma_start3A_205] : memref<2x3072x768xf32, #tpu.memory_space<vmem>> -> memref<1x768x768xf32, #tpu.memory_space<vmem>>
        %dma_start3A_207 = tpu.memref_squeeze %dma_start3A_206 : memref<1x768x768xf32, #tpu.memory_space<vmem>> -> memref<768x768xf32, #tpu.memory_space<vmem>>
        %dma_start3A_208 = arith.constant 0 : i32
        %dma_start3A_209 = arith.constant 0 : i32
        %dma_start3A_210 = tpu.memref_slice %arg7[%get3A_155, %dma_start3A_208, %dma_start3A_209] : memref<8x3072x768xf32, #tpu.memory_space<any>> -> memref<1x768x768xf32, #tpu.memory_space<any>>
        %dma_start3A_211 = tpu.memref_squeeze %dma_start3A_210 : memref<1x768x768xf32, #tpu.memory_space<any>> -> memref<768x768xf32, #tpu.memory_space<any>>
        tpu.enqueue_dma source(%dma_start3A_211 : memref<768x768xf32, #tpu.memory_space<any>>) target(%dma_start3A_207 : memref<768x768xf32, #tpu.memory_space<vmem>>) target_semaphore(%dma_start3A_203 : memref<!tpu.dma_semaphore, #tpu.memory_space<semaphore_mem>>)
        %dma_start3A_212 = arith.constant 5 : i32
        %dma_start3A_213 = tpu.memref_slice %arg11[%sub3A_157, %dma_start3A_212] : memref<2x8x!tpu.dma_semaphore, #tpu.memory_space<semaphore_mem>> -> memref<1x1x!tpu.dma_semaphore, #tpu.memory_space<semaphore_mem>>
        %dma_start3A_214 = tpu.memref_squeeze %dma_start3A_213 : memref<1x1x!tpu.dma_semaphore, #tpu.memory_space<semaphore_mem>> -> memref<!tpu.dma_semaphore, #tpu.memory_space<semaphore_mem>>
        %dma_start3A_215 = arith.constant 768 : i32
        %dma_start3A_216 = arith.constant 0 : i32
        %dma_start3A_217 = tpu.memref_slice %arg10[%sub3A_157, %dma_start3A_215, %dma_start3A_216] : memref<2x3072x768xf32, #tpu.memory_space<vmem>> -> memref<1x768x768xf32, #tpu.memory_space<vmem>>
        %dma_start3A_218 = tpu.memref_squeeze %dma_start3A_217 : memref<1x768x768xf32, #tpu.memory_space<vmem>> -> memref<768x768xf32, #tpu.memory_space<vmem>>
        %dma_start3A_219 = arith.constant 768 : i32
        %dma_start3A_220 = arith.constant 0 : i32
        %dma_start3A_221 = tpu.memref_slice %arg7[%get3A_155, %dma_start3A_219, %dma_start3A_220] : memref<8x3072x768xf32, #tpu.memory_space<any>> -> memref<1x768x768xf32, #tpu.memory_space<any>>
        %dma_start3A_222 = tpu.memref_squeeze %dma_start3A_221 : memref<1x768x768xf32, #tpu.memory_space<any>> -> memref<768x768xf32, #tpu.memory_space<any>>
        tpu.enqueue_dma source(%dma_start3A_222 : memref<768x768xf32, #tpu.memory_space<any>>) target(%dma_start3A_218 : memref<768x768xf32, #tpu.memory_space<vmem>>) target_semaphore(%dma_start3A_214 : memref<!tpu.dma_semaphore, #tpu.memory_space<semaphore_mem>>)
        %dma_start3A_223 = arith.constant 6 : i32
        %dma_start3A_224 = tpu.memref_slice %arg11[%sub3A_157, %dma_start3A_223] : memref<2x8x!tpu.dma_semaphore, #tpu.memory_space<semaphore_mem>> -> memref<1x1x!tpu.dma_semaphore, #tpu.memory_space<semaphore_mem>>
        %dma_start3A_225 = tpu.memref_squeeze %dma_start3A_224 : memref<1x1x!tpu.dma_semaphore, #tpu.memory_space<semaphore_mem>> -> memref<!tpu.dma_semaphore, #tpu.memory_space<semaphore_mem>>
        %dma_start3A_226 = arith.constant 1536 : i32
        %dma_start3A_227 = arith.constant 0 : i32
        %dma_start3A_228 = tpu.memref_slice %arg10[%sub3A_157, %dma_start3A_226, %dma_start3A_227] : memref<2x3072x768xf32, #tpu.memory_space<vmem>> -> memref<1x768x768xf32, #tpu.memory_space<vmem>>
        %dma_start3A_229 = tpu.memref_squeeze %dma_start3A_228 : memref<1x768x768xf32, #tpu.memory_space<vmem>> -> memref<768x768xf32, #tpu.memory_space<vmem>>
        %dma_start3A_230 = arith.constant 1536 : i32
        %dma_start3A_231 = arith.constant 0 : i32
        %dma_start3A_232 = tpu.memref_slice %arg7[%get3A_155, %dma_start3A_230, %dma_start3A_231] : memref<8x3072x768xf32, #tpu.memory_space<any>> -> memref<1x768x768xf32, #tpu.memory_space<any>>
        %dma_start3A_233 = tpu.memref_squeeze %dma_start3A_232 : memref<1x768x768xf32, #tpu.memory_space<any>> -> memref<768x768xf32, #tpu.memory_space<any>>
        tpu.enqueue_dma source(%dma_start3A_233 : memref<768x768xf32, #tpu.memory_space<any>>) target(%dma_start3A_229 : memref<768x768xf32, #tpu.memory_space<vmem>>) target_semaphore(%dma_start3A_225 : memref<!tpu.dma_semaphore, #tpu.memory_space<semaphore_mem>>)
        %dma_start3A_234 = arith.constant 7 : i32
        %dma_start3A_235 = tpu.memref_slice %arg11[%sub3A_157, %dma_start3A_234] : memref<2x8x!tpu.dma_semaphore, #tpu.memory_space<semaphore_mem>> -> memref<1x1x!tpu.dma_semaphore, #tpu.memory_space<semaphore_mem>>
        %dma_start3A_236 = tpu.memref_squeeze %dma_start3A_235 : memref<1x1x!tpu.dma_semaphore, #tpu.memory_space<semaphore_mem>> -> memref<!tpu.dma_semaphore, #tpu.memory_space<semaphore_mem>>
        %dma_start3A_237 = arith.constant 2304 : i32
        %dma_start3A_238 = arith.constant 0 : i32
        %dma_start3A_239 = tpu.memref_slice %arg10[%sub3A_157, %dma_start3A_237, %dma_start3A_238] : memref<2x3072x768xf32, #tpu.memory_space<vmem>> -> memref<1x768x768xf32, #tpu.memory_space<vmem>>
        %dma_start3A_240 = tpu.memref_squeeze %dma_start3A_239 : memref<1x768x768xf32, #tpu.memory_space<vmem>> -> memref<768x768xf32, #tpu.memory_space<vmem>>
        %dma_start3A_241 = arith.constant 2304 : i32
        %dma_start3A_242 = arith.constant 0 : i32
        %dma_start3A_243 = tpu.memref_slice %arg7[%get3A_155, %dma_start3A_241, %dma_start3A_242] : memref<8x3072x768xf32, #tpu.memory_space<any>> -> memref<1x768x768xf32, #tpu.memory_space<any>>
        %dma_start3A_244 = tpu.memref_squeeze %dma_start3A_243 : memref<1x768x768xf32, #tpu.memory_space<any>> -> memref<768x768xf32, #tpu.memory_space<any>>
        tpu.enqueue_dma source(%dma_start3A_244 : memref<768x768xf32, #tpu.memory_space<any>>) target(%dma_start3A_240 : memref<768x768xf32, #tpu.memory_space<vmem>>) target_semaphore(%dma_start3A_236 : memref<!tpu.dma_semaphore, #tpu.memory_space<semaphore_mem>>)
      } else {
      }
      %add3A_59 = arith.constant 23 : i32
      %add3A_60 = arith.addi %add3A_59, %get3A_0 : i32
      %get3A_61 = arith.index_cast %add3A_60 : i32 to index
      %get3A_62 = memref.load %arg1[%get3A_61] : memref<32xi32, #tpu.memory_space<smem>>
      %dma_wait3A = arith.constant 0 : i32
      %dma_wait3A_63 = tpu.memref_slice %arg11[%rem3A_8, %dma_wait3A] : memref<2x8x!tpu.dma_semaphore, #tpu.memory_space<semaphore_mem>> -> memref<1x1x!tpu.dma_semaphore, #tpu.memory_space<semaphore_mem>>
      %dma_wait3A_64 = tpu.memref_squeeze %dma_wait3A_63 : memref<1x1x!tpu.dma_semaphore, #tpu.memory_space<semaphore_mem>> -> memref<!tpu.dma_semaphore, #tpu.memory_space<semaphore_mem>>
      %dma_wait3A_65 = arith.constant 0 : i32
      %dma_wait3A_66 = arith.constant 0 : i32
      %dma_wait3A_67 = tpu.memref_slice %arg9[%rem3A_8, %dma_wait3A_65, %dma_wait3A_66] : memref<2x768x3072xf32, #tpu.memory_space<vmem>> -> memref<1x192x3072xf32, #tpu.memory_space<vmem>>
      %dma_wait3A_68 = tpu.memref_squeeze %dma_wait3A_67 : memref<1x192x3072xf32, #tpu.memory_space<vmem>> -> memref<192x3072xf32, #tpu.memory_space<vmem>>
      %dma_wait3A_69 = arith.constant 0 : i32
      %dma_wait3A_70 = arith.constant 0 : i32
      %dma_wait3A_71 = tpu.memref_slice %arg6[%get3A_62, %dma_wait3A_69, %dma_wait3A_70] : memref<8x768x3072xf32, #tpu.memory_space<any>> -> memref<1x192x3072xf32, #tpu.memory_space<any>>
      %dma_wait3A_72 = tpu.memref_squeeze %dma_wait3A_71 : memref<1x192x3072xf32, #tpu.memory_space<any>> -> memref<192x3072xf32, #tpu.memory_space<any>>
      tpu.wait_dma2 semaphore(%dma_wait3A_64 : memref<!tpu.dma_semaphore, #tpu.memory_space<semaphore_mem>>) src(%dma_wait3A_72 : memref<192x3072xf32, #tpu.memory_space<any>>) dst(%dma_wait3A_68 : memref<192x3072xf32, #tpu.memory_space<vmem>>)
      %dma_wait3A_73 = arith.constant 1 : i32
      %dma_wait3A_74 = tpu.memref_slice %arg11[%rem3A_8, %dma_wait3A_73] : memref<2x8x!tpu.dma_semaphore, #tpu.memory_space<semaphore_mem>> -> memref<1x1x!tpu.dma_semaphore, #tpu.memory_space<semaphore_mem>>
      %dma_wait3A_75 = tpu.memref_squeeze %dma_wait3A_74 : memref<1x1x!tpu.dma_semaphore, #tpu.memory_space<semaphore_mem>> -> memref<!tpu.dma_semaphore, #tpu.memory_space<semaphore_mem>>
      %dma_wait3A_76 = arith.constant 192 : i32
      %dma_wait3A_77 = arith.constant 0 : i32
      %dma_wait3A_78 = tpu.memref_slice %arg9[%rem3A_8, %dma_wait3A_76, %dma_wait3A_77] : memref<2x768x3072xf32, #tpu.memory_space<vmem>> -> memref<1x192x3072xf32, #tpu.memory_space<vmem>>
      %dma_wait3A_79 = tpu.memref_squeeze %dma_wait3A_78 : memref<1x192x3072xf32, #tpu.memory_space<vmem>> -> memref<192x3072xf32, #tpu.memory_space<vmem>>
      %dma_wait3A_80 = arith.constant 192 : i32
      %dma_wait3A_81 = arith.constant 0 : i32
      %dma_wait3A_82 = tpu.memref_slice %arg6[%get3A_62, %dma_wait3A_80, %dma_wait3A_81] : memref<8x768x3072xf32, #tpu.memory_space<any>> -> memref<1x192x3072xf32, #tpu.memory_space<any>>
      %dma_wait3A_83 = tpu.memref_squeeze %dma_wait3A_82 : memref<1x192x3072xf32, #tpu.memory_space<any>> -> memref<192x3072xf32, #tpu.memory_space<any>>
      tpu.wait_dma2 semaphore(%dma_wait3A_75 : memref<!tpu.dma_semaphore, #tpu.memory_space<semaphore_mem>>) src(%dma_wait3A_83 : memref<192x3072xf32, #tpu.memory_space<any>>) dst(%dma_wait3A_79 : memref<192x3072xf32, #tpu.memory_space<vmem>>)
      %dma_wait3A_84 = arith.constant 2 : i32
      %dma_wait3A_85 = tpu.memref_slice %arg11[%rem3A_8, %dma_wait3A_84] : memref<2x8x!tpu.dma_semaphore, #tpu.memory_space<semaphore_mem>> -> memref<1x1x!tpu.dma_semaphore, #tpu.memory_space<semaphore_mem>>
      %dma_wait3A_86 = tpu.memref_squeeze %dma_wait3A_85 : memref<1x1x!tpu.dma_semaphore, #tpu.memory_space<semaphore_mem>> -> memref<!tpu.dma_semaphore, #tpu.memory_space<semaphore_mem>>
      %dma_wait3A_87 = arith.constant 384 : i32
      %dma_wait3A_88 = arith.constant 0 : i32
      %dma_wait3A_89 = tpu.memref_slice %arg9[%rem3A_8, %dma_wait3A_87, %dma_wait3A_88] : memref<2x768x3072xf32, #tpu.memory_space<vmem>> -> memref<1x192x3072xf32, #tpu.memory_space<vmem>>
      %dma_wait3A_90 = tpu.memref_squeeze %dma_wait3A_89 : memref<1x192x3072xf32, #tpu.memory_space<vmem>> -> memref<192x3072xf32, #tpu.memory_space<vmem>>
      %dma_wait3A_91 = arith.constant 384 : i32
      %dma_wait3A_92 = arith.constant 0 : i32
      %dma_wait3A_93 = tpu.memref_slice %arg6[%get3A_62, %dma_wait3A_91, %dma_wait3A_92] : memref<8x768x3072xf32, #tpu.memory_space<any>> -> memref<1x192x3072xf32, #tpu.memory_space<any>>
      %dma_wait3A_94 = tpu.memref_squeeze %dma_wait3A_93 : memref<1x192x3072xf32, #tpu.memory_space<any>> -> memref<192x3072xf32, #tpu.memory_space<any>>
      tpu.wait_dma2 semaphore(%dma_wait3A_86 : memref<!tpu.dma_semaphore, #tpu.memory_space<semaphore_mem>>) src(%dma_wait3A_94 : memref<192x3072xf32, #tpu.memory_space<any>>) dst(%dma_wait3A_90 : memref<192x3072xf32, #tpu.memory_space<vmem>>)
      %dma_wait3A_95 = arith.constant 3 : i32
      %dma_wait3A_96 = tpu.memref_slice %arg11[%rem3A_8, %dma_wait3A_95] : memref<2x8x!tpu.dma_semaphore, #tpu.memory_space<semaphore_mem>> -> memref<1x1x!tpu.dma_semaphore, #tpu.memory_space<semaphore_mem>>
      %dma_wait3A_97 = tpu.memref_squeeze %dma_wait3A_96 : memref<1x1x!tpu.dma_semaphore, #tpu.memory_space<semaphore_mem>> -> memref<!tpu.dma_semaphore, #tpu.memory_space<semaphore_mem>>
      %dma_wait3A_98 = arith.constant 576 : i32
      %dma_wait3A_99 = arith.constant 0 : i32
      %dma_wait3A_100 = tpu.memref_slice %arg9[%rem3A_8, %dma_wait3A_98, %dma_wait3A_99] : memref<2x768x3072xf32, #tpu.memory_space<vmem>> -> memref<1x192x3072xf32, #tpu.memory_space<vmem>>
      %dma_wait3A_101 = tpu.memref_squeeze %dma_wait3A_100 : memref<1x192x3072xf32, #tpu.memory_space<vmem>> -> memref<192x3072xf32, #tpu.memory_space<vmem>>
      %dma_wait3A_102 = arith.constant 576 : i32
      %dma_wait3A_103 = arith.constant 0 : i32
      %dma_wait3A_104 = tpu.memref_slice %arg6[%get3A_62, %dma_wait3A_102, %dma_wait3A_103] : memref<8x768x3072xf32, #tpu.memory_space<any>> -> memref<1x192x3072xf32, #tpu.memory_space<any>>
      %dma_wait3A_105 = tpu.memref_squeeze %dma_wait3A_104 : memref<1x192x3072xf32, #tpu.memory_space<any>> -> memref<192x3072xf32, #tpu.memory_space<any>>
      tpu.wait_dma2 semaphore(%dma_wait3A_97 : memref<!tpu.dma_semaphore, #tpu.memory_space<semaphore_mem>>) src(%dma_wait3A_105 : memref<192x3072xf32, #tpu.memory_space<any>>) dst(%dma_wait3A_101 : memref<192x3072xf32, #tpu.memory_space<vmem>>)
      %dma_wait3A_106 = arith.constant 4 : i32
      %dma_wait3A_107 = tpu.memref_slice %arg11[%rem3A_8, %dma_wait3A_106] : memref<2x8x!tpu.dma_semaphore, #tpu.memory_space<semaphore_mem>> -> memref<1x1x!tpu.dma_semaphore, #tpu.memory_space<semaphore_mem>>
      %dma_wait3A_108 = tpu.memref_squeeze %dma_wait3A_107 : memref<1x1x!tpu.dma_semaphore, #tpu.memory_space<semaphore_mem>> -> memref<!tpu.dma_semaphore, #tpu.memory_space<semaphore_mem>>
      %dma_wait3A_109 = arith.constant 0 : i32
      %dma_wait3A_110 = arith.constant 0 : i32
      %dma_wait3A_111 = tpu.memref_slice %arg10[%rem3A_8, %dma_wait3A_109, %dma_wait3A_110] : memref<2x3072x768xf32, #tpu.memory_space<vmem>> -> memref<1x768x768xf32, #tpu.memory_space<vmem>>
      %dma_wait3A_112 = tpu.memref_squeeze %dma_wait3A_111 : memref<1x768x768xf32, #tpu.memory_space<vmem>> -> memref<768x768xf32, #tpu.memory_space<vmem>>
      %dma_wait3A_113 = arith.constant 0 : i32
      %dma_wait3A_114 = arith.constant 0 : i32
      %dma_wait3A_115 = tpu.memref_slice %arg7[%get3A_62, %dma_wait3A_113, %dma_wait3A_114] : memref<8x3072x768xf32, #tpu.memory_space<any>> -> memref<1x768x768xf32, #tpu.memory_space<any>>
      %dma_wait3A_116 = tpu.memref_squeeze %dma_wait3A_115 : memref<1x768x768xf32, #tpu.memory_space<any>> -> memref<768x768xf32, #tpu.memory_space<any>>
      tpu.wait_dma2 semaphore(%dma_wait3A_108 : memref<!tpu.dma_semaphore, #tpu.memory_space<semaphore_mem>>) src(%dma_wait3A_116 : memref<768x768xf32, #tpu.memory_space<any>>) dst(%dma_wait3A_112 : memref<768x768xf32, #tpu.memory_space<vmem>>)
      %dma_wait3A_117 = arith.constant 5 : i32
      %dma_wait3A_118 = tpu.memref_slice %arg11[%rem3A_8, %dma_wait3A_117] : memref<2x8x!tpu.dma_semaphore, #tpu.memory_space<semaphore_mem>> -> memref<1x1x!tpu.dma_semaphore, #tpu.memory_space<semaphore_mem>>
      %dma_wait3A_119 = tpu.memref_squeeze %dma_wait3A_118 : memref<1x1x!tpu.dma_semaphore, #tpu.memory_space<semaphore_mem>> -> memref<!tpu.dma_semaphore, #tpu.memory_space<semaphore_mem>>
      %dma_wait3A_120 = arith.constant 768 : i32
      %dma_wait3A_121 = arith.constant 0 : i32
      %dma_wait3A_122 = tpu.memref_slice %arg10[%rem3A_8, %dma_wait3A_120, %dma_wait3A_121] : memref<2x3072x768xf32, #tpu.memory_space<vmem>> -> memref<1x768x768xf32, #tpu.memory_space<vmem>>
      %dma_wait3A_123 = tpu.memref_squeeze %dma_wait3A_122 : memref<1x768x768xf32, #tpu.memory_space<vmem>> -> memref<768x768xf32, #tpu.memory_space<vmem>>
      %dma_wait3A_124 = arith.constant 768 : i32
      %dma_wait3A_125 = arith.constant 0 : i32
      %dma_wait3A_126 = tpu.memref_slice %arg7[%get3A_62, %dma_wait3A_124, %dma_wait3A_125] : memref<8x3072x768xf32, #tpu.memory_space<any>> -> memref<1x768x768xf32, #tpu.memory_space<any>>
      %dma_wait3A_127 = tpu.memref_squeeze %dma_wait3A_126 : memref<1x768x768xf32, #tpu.memory_space<any>> -> memref<768x768xf32, #tpu.memory_space<any>>
      tpu.wait_dma2 semaphore(%dma_wait3A_119 : memref<!tpu.dma_semaphore, #tpu.memory_space<semaphore_mem>>) src(%dma_wait3A_127 : memref<768x768xf32, #tpu.memory_space<any>>) dst(%dma_wait3A_123 : memref<768x768xf32, #tpu.memory_space<vmem>>)
      %dma_wait3A_128 = arith.constant 6 : i32
      %dma_wait3A_129 = tpu.memref_slice %arg11[%rem3A_8, %dma_wait3A_128] : memref<2x8x!tpu.dma_semaphore, #tpu.memory_space<semaphore_mem>> -> memref<1x1x!tpu.dma_semaphore, #tpu.memory_space<semaphore_mem>>
      %dma_wait3A_130 = tpu.memref_squeeze %dma_wait3A_129 : memref<1x1x!tpu.dma_semaphore, #tpu.memory_space<semaphore_mem>> -> memref<!tpu.dma_semaphore, #tpu.memory_space<semaphore_mem>>
      %dma_wait3A_131 = arith.constant 1536 : i32
      %dma_wait3A_132 = arith.constant 0 : i32
      %dma_wait3A_133 = tpu.memref_slice %arg10[%rem3A_8, %dma_wait3A_131, %dma_wait3A_132] : memref<2x3072x768xf32, #tpu.memory_space<vmem>> -> memref<1x768x768xf32, #tpu.memory_space<vmem>>
      %dma_wait3A_134 = tpu.memref_squeeze %dma_wait3A_133 : memref<1x768x768xf32, #tpu.memory_space<vmem>> -> memref<768x768xf32, #tpu.memory_space<vmem>>
      %dma_wait3A_135 = arith.constant 1536 : i32
      %dma_wait3A_136 = arith.constant 0 : i32
      %dma_wait3A_137 = tpu.memref_slice %arg7[%get3A_62, %dma_wait3A_135, %dma_wait3A_136] : memref<8x3072x768xf32, #tpu.memory_space<any>> -> memref<1x768x768xf32, #tpu.memory_space<any>>
      %dma_wait3A_138 = tpu.memref_squeeze %dma_wait3A_137 : memref<1x768x768xf32, #tpu.memory_space<any>> -> memref<768x768xf32, #tpu.memory_space<any>>
      tpu.wait_dma2 semaphore(%dma_wait3A_130 : memref<!tpu.dma_semaphore, #tpu.memory_space<semaphore_mem>>) src(%dma_wait3A_138 : memref<768x768xf32, #tpu.memory_space<any>>) dst(%dma_wait3A_134 : memref<768x768xf32, #tpu.memory_space<vmem>>)
      %dma_wait3A_139 = arith.constant 7 : i32
      %dma_wait3A_140 = tpu.memref_slice %arg11[%rem3A_8, %dma_wait3A_139] : memref<2x8x!tpu.dma_semaphore, #tpu.memory_space<semaphore_mem>> -> memref<1x1x!tpu.dma_semaphore, #tpu.memory_space<semaphore_mem>>
      %dma_wait3A_141 = tpu.memref_squeeze %dma_wait3A_140 : memref<1x1x!tpu.dma_semaphore, #tpu.memory_space<semaphore_mem>> -> memref<!tpu.dma_semaphore, #tpu.memory_space<semaphore_mem>>
      %dma_wait3A_142 = arith.constant 2304 : i32
      %dma_wait3A_143 = arith.constant 0 : i32
      %dma_wait3A_144 = tpu.memref_slice %arg10[%rem3A_8, %dma_wait3A_142, %dma_wait3A_143] : memref<2x3072x768xf32, #tpu.memory_space<vmem>> -> memref<1x768x768xf32, #tpu.memory_space<vmem>>
      %dma_wait3A_145 = tpu.memref_squeeze %dma_wait3A_144 : memref<1x768x768xf32, #tpu.memory_space<vmem>> -> memref<768x768xf32, #tpu.memory_space<vmem>>
      %dma_wait3A_146 = arith.constant 2304 : i32
      %dma_wait3A_147 = arith.constant 0 : i32
      %dma_wait3A_148 = tpu.memref_slice %arg7[%get3A_62, %dma_wait3A_146, %dma_wait3A_147] : memref<8x3072x768xf32, #tpu.memory_space<any>> -> memref<1x768x768xf32, #tpu.memory_space<any>>
      %dma_wait3A_149 = tpu.memref_squeeze %dma_wait3A_148 : memref<1x768x768xf32, #tpu.memory_space<any>> -> memref<768x768xf32, #tpu.memory_space<any>>
      tpu.wait_dma2 semaphore(%dma_wait3A_141 : memref<!tpu.dma_semaphore, #tpu.memory_space<semaphore_mem>>) src(%dma_wait3A_149 : memref<768x768xf32, #tpu.memory_space<any>>) dst(%dma_wait3A_145 : memref<768x768xf32, #tpu.memory_space<vmem>>)
    } else {
    }
    %get3A_15 = arith.constant 0 : index
    %get3A_16 = arith.constant 0 : index
    %get3A_17 = vector.load %arg2[%get3A_15, %get3A_16] : memref<128x768xf32, #tpu.memory_space<vmem>>, vector<128x768xf32>
    %get3A_18 = arith.index_cast %rem3A_8 : i32 to index
    %get3A_19 = arith.constant 0 : index
    %get3A_20 = arith.constant 0 : index
    %get3A_21 = vector.load %arg9[%get3A_18, %get3A_19, %get3A_20] : memref<2x768x3072xf32, #tpu.memory_space<vmem>>, vector<1x768x3072xf32>
    %get3A_22 = vector.shape_cast %get3A_21 : vector<1x768x3072xf32> to vector<768x3072xf32>
    %dot_general3A = arith.constant dense<0.000000e+00> : vector<128x3072xf32>
    %dot_general3A_23 = tpu.matmul %get3A_17, %get3A_22, %dot_general3A {dimension_numbers = #tpu.dot_dimension_numbers<[1], [0], [0], [1], [0, 0, 1, 1], [], []>, transpose_lhs_hint = false} : vector<128x768xf32>, vector<768x3072xf32>, vector<128x3072xf32> -> vector<128x3072xf32>
    %get3A_24 = arith.constant 0 : index
    %get3A_25 = arith.constant 0 : index
    %get3A_26 = arith.constant 0 : index
    %get3A_27 = vector.load %arg3[%get3A_24, %get3A_25, %get3A_26] : memref<1x1x3072xf32, #tpu.memory_space<vmem>>, vector<1x1x3072xf32>
    %get3A_28 = vector.shape_cast %get3A_27 : vector<1x1x3072xf32> to vector<1x3072xf32>
    %add3A = vector.broadcast %get3A_28 : vector<1x3072xf32> to vector<128x3072xf32>
    %add3A_29 = arith.addf %dot_general3A_23, %add3A : vector<128x3072xf32>
    %max3A_30 = arith.constant 0.000000e+00 : f32
    %max3A_31 = vector.broadcast %max3A_30 : f32 to vector<128x3072xf32>
    %max3A_32 = arith.maximumf %add3A_29, %max3A_31 : vector<128x3072xf32>
    %get3A_33 = arith.index_cast %rem3A_8 : i32 to index
    %get3A_34 = arith.constant 0 : index
    %get3A_35 = arith.constant 0 : index
    %get3A_36 = vector.load %arg10[%get3A_33, %get3A_34, %get3A_35] : memref<2x3072x768xf32, #tpu.memory_space<vmem>>, vector<1x3072x768xf32>
    %get3A_37 = vector.shape_cast %get3A_36 : vector<1x3072x768xf32> to vector<3072x768xf32>
    %dot_general3A_38 = arith.constant dense<0.000000e+00> : vector<128x768xf32>
    %dot_general3A_39 = tpu.matmul %max3A_32, %get3A_37, %dot_general3A_38 {dimension_numbers = #tpu.dot_dimension_numbers<[1], [0], [0], [1], [0, 0, 1, 1], [], []>, transpose_lhs_hint = false} : vector<128x3072xf32>, vector<3072x768xf32>, vector<128x768xf32> -> vector<128x768xf32>
    %get3A_40 = arith.constant 0 : index
    %get3A_41 = arith.constant 0 : index
    %get3A_42 = arith.constant 0 : index
    %get3A_43 = vector.load %arg4[%get3A_40, %get3A_41, %get3A_42] : memref<1x1x768xf32, #tpu.memory_space<vmem>>, vector<1x1x768xf32>
    %get3A_44 = vector.shape_cast %get3A_43 : vector<1x1x768xf32> to vector<1x768xf32>
    %add3A_45 = vector.broadcast %get3A_44 : vector<1x768xf32> to vector<128x768xf32>
    %add3A_46 = arith.addf %dot_general3A_39, %add3A_45 : vector<128x768xf32>
    %get3A_47 = arith.constant 0 : index
    %get3A_48 = arith.constant 0 : index
    %get3A_49 = vector.load %arg5[%get3A_47, %get3A_48] : memref<128x128xf32, #tpu.memory_space<vmem>>, vector<128x1xf32>
    %mul3A = vector.broadcast %get3A_49 : vector<128x1xf32> to vector<128x768xf32>
    %mul3A_50 = arith.mulf %add3A_46, %mul3A : vector<128x768xf32>
    %swap3A = arith.constant 0 : index
    %swap3A_51 = arith.constant 0 : index
    %swap3A_52 = vector.load %arg8[%swap3A, %swap3A_51] : memref<128x768xf32, #tpu.memory_space<vmem>>, vector<128x768xf32>
    tpu.vector_store %arg8[%swap3A, %swap3A_51], %mul3A_50 {strides = array<i32>} : memref<128x768xf32, #tpu.memory_space<vmem>>, vector<128x768xf32>,
    return
  }
  func.func @transform_0(%arg0: i32, %arg1: memref<32xi32, #tpu.memory_space<smem>>) -> (i32, i32) {
    %c0_i32 = arith.constant 0 : i32
    %c0_i32_0 = arith.constant 0 : i32
    return %arg0, %c0_i32 : i32, i32
  }
  func.func @transform_1(%arg0: i32, %arg1: memref<32xi32, #tpu.memory_space<smem>>) -> (i32, i32, i32) {
    %get3A = arith.index_cast %arg0 : i32 to index
    %get3A_0 = memref.load %arg1[%get3A] : memref<32xi32, #tpu.memory_space<smem>>
    %add3A = arith.constant 23 : i32
    %add3A_1 = arith.addi %add3A, %get3A_0 : i32
    %get3A_2 = arith.index_cast %add3A_1 : i32 to index
    %get3A_3 = memref.load %arg1[%get3A_2] : memref<32xi32, #tpu.memory_space<smem>>
    %c0_i32 = arith.constant 0 : i32
    %c0_i32_4 = arith.constant 0 : i32
    %c0_i32_5 = arith.constant 0 : i32
    return %get3A_3, %c0_i32, %c0_i32_4 : i32, i32, i32
  }
  func.func @transform_2(%arg0: i32, %arg1: memref<32xi32, #tpu.memory_space<smem>>) -> (i32, i32, i32) {
    %get3A = arith.index_cast %arg0 : i32 to index
    %get3A_0 = memref.load %arg1[%get3A] : memref<32xi32, #tpu.memory_space<smem>>
    %add3A = arith.constant 23 : i32
    %add3A_1 = arith.addi %add3A, %get3A_0 : i32
    %get3A_2 = arith.index_cast %add3A_1 : i32 to index
    %get3A_3 = memref.load %arg1[%get3A_2] : memref<32xi32, #tpu.memory_space<smem>>
    %c0_i32 = arith.constant 0 : i32
    %c0_i32_4 = arith.constant 0 : i32
    %c0_i32_5 = arith.constant 0 : i32
    return %get3A_3, %c0_i32, %c0_i32_4 : i32, i32, i32
  }
  func.func @transform_3(%arg0: i32, %arg1: memref<32xi32, #tpu.memory_space<smem>>) -> (i32, i32) {
    %c0_i32 = arith.constant 0 : i32
    %c0_i32_0 = arith.constant 0 : i32
    return %arg0, %c0_i32 : i32, i32
  }
  func.func @transform_6(%arg0: i32, %arg1: memref<32xi32, #tpu.memory_space<smem>>) -> (i32, i32) {
    %c0_i32 = arith.constant 0 : i32
    %c0_i32_0 = arith.constant 0 : i32
    return %arg0, %c0_i32 : i32, i32
  }
}

</mosaic_0001>

<sc_bundles>
// kernel: kernel.6.cloned.1.call-start
scs
__scs_entry_jumppad:
0x0: {  	(pc) =	sbr.rel $0x88, $3  }
0x1: {  	(tag) =	ssettag $0x0;
	lr =	simm.s32 $0x1  }
0x2: {  	[smem:$0x3F9B] =	sst lr;
	_ =	strace $0xD0000000  }
0x3: {  	_ = 	snop  }
0x4: {  	_ = 	snop  }
0x5: {  	_ = 	snop  }
0x6: {  	_ = 	snop  }
0x7: {  	_ = 	snop  }
__scs_overlays_trampoline_lowered:
0x8: {  	[smem:$0x3FAA] =	sst s0  }
0x9: {  	[smem:$0x3FAB] =	sst s1  }
0xa: {  	[smem:$0x3FAC] =	sst s2  }
0xb: {  	[smem:$0x3FAD] =	sst s3  }
0xc: {  	[smem:$0x3FAE] =	sst s4  }
0xd: {  	[smem:$0x3FAF] =	sst s5  }
0xe: {  	[smem:$0x3FB0] =	sst s6  }
0xf: {  	[smem:$0x3FB1] =	sst s7  }
0x10: {  	[smem:$0x3FB2] =	sst s8  }
0x11: {  	[smem:$0x3FB3] =	sst s9;
	s0 =	simm.s32 @!p0 $0x0  }
0x12: {  	s1 =	sld [smem:$0x3F99];
	s0 =	simm.s32 @p0 $0x1  }
0x13: {  	[smem:$0x3FB4] =	sst s0;
	s0 =	simm.s32 @!p1 $0x0  }
0x14: {  	s2 =	sld [smem:$0x3F98];
	s0 =	simm.s32 @p1 $0x1  }
0x15: {  	[smem:$0x3FB5] =	sst s0;
	s0 =	simm.s32 @!p2 $0x0  }
0x16: {  	s3 =	sld [smem:$0x3FDB];
	s0 =	simm.s32 @p2 $0x1  }
0x17: {  	s4 =	simm.s32 $0x1BF5;
	[smem:$0x3FB7] =	sst s0  }
0x18: {  	s0 =	sld [smem:$0x3F9A];
	_ =	swait.ge [sflag:s4], $0x0  }
0x19: {  	s7 =	sld [smem:$0x3F9B]  }
0x1a: {  	s8 =	sadd.s32 $0xFFFFE003, lr  }
0x1b: {  	s9 =	sadd.s32 $0xFFFFFEF7, lr;
	s5 =	simm.s32 $0xFFFFFFFF;
	p2 =	slt.u32 s8, $0xFFFFF086  }
0x1c: {  	p1 =	slt.u32 s9, $0xF7A;
	s5 =	simm.s32 @!p2 $0x0  }
0x1d: {  	s5 =	simm.s32 @p1 $0x1;
	p0 =	seq.s32 s7, s2  }
0x1e: {  	s7 =	smul.u32 @!p0 $0xF7A, s2;
	p2 =	seq.s32 @!p0 s5, $0x0  }
0x1f: {  	s9 =	smul.u32 $0xF7A, s1;
	s8 =	simm.s32 @!p0 $0x1BF5;
	p2 =	por !p2, p0  }
0x20: {  	[sflag:s8] =	ssyncset.s32 @!p0 $0xFFFFF086;
	s6 =	sadd.s32 @!p0 s3, s7;
	s7 =	simm.s32 @!p0 $0x108  }
0x21: {  	s3 =	sadd.s32 s3, s9;
	s6 =	sadd.s32 @!p0 $0x88, s6;
	s7 =	simm.s32 @p2 $0x1082  }
0x22: {  	[simem:s7], [sflag:s8] =	dma.local @!p0 [hbm:s6], $0xF7A  }
0x23: {  	s9 =	sor.u32 $0xD0000000, s2;
	s6 =	simm.s32 $0x108;
	_ =	swait.ge @!p0 [sflag:s8], $0x0  }
0x24: {  	s3 =	sadd.s32 $0x88, s3;
	s6 =	simm.s32 @!p1 $0x1082;
	[sflag:s4] =	ssyncset.s32 $0xFFFFF086  }
0x25: {  	[simem:s6], [sflag:s4] =	dma.local [hbm:s3], $0xF7A  }
0x26: {  	[smem:$0x3F9B] =	sst s1;
	(tag) =	ssettag s2;
	_ =	strace s9  }
0x27: {  	s1 =	sld [smem:$0x3FAB]  }
0x28: {  	s2 =	sld [smem:$0x3FAC]  }
0x29: {  	s4 =	sld [smem:$0x3FAE]  }
0x2a: {  	p0 =	seq.s32 s5, $0x0;
	s5 =	sld [smem:$0x3FAF]  }
0x2b: {  	s6 =	sld [smem:$0x3FB0]  }
0x2c: {  	s7 =	sld [smem:$0x3FB1]  }
0x2d: {  	s3 =	simm.s32 $0x108;
	s8 =	sld [smem:$0x3FB2]  }
0x2e: {  	s3 =	simm.s32 @!p0 $0x1082;
	s9 =	sld [smem:$0x3FB3]  }
0x2f: {  	lr =	sadd.s32 s0, s3;
	s0 =	sld [smem:$0x3FAA]  }
0x30: {  	s3 =	sld [smem:$0x3FAD]  }
0x31: {  	[smem:$0x3FB6] =	sst s10  }
0x32: {  	s10 =	sld [smem:$0x3FB4];
	_ =	sdelay $0x3  }
0x33: {  	p0 =	seq.s32 s10, $0x1;
	s10 =	sld [smem:$0x3FB6];
	_ =	sdelay $0x3  }
0x34: {  	[smem:$0x3FB6] =	sst s10  }
0x35: {  	s10 =	sld [smem:$0x3FB5];
	_ =	sdelay $0x3  }
0x36: {  	p1 =	seq.s32 s10, $0x1;
	s10 =	sld [smem:$0x3FB6];
	_ =	sdelay $0x3  }
0x37: {  	[smem:$0x3FB6] =	sst s10  }
0x38: {  	s10 =	sld [smem:$0x3FB7]  }
0x39: {  	_ = 	snop;
	(pc) =	sbr.ind lr, $3  }
0x3a: {  	_ = 	snop  }
0x3b: {  	_ = 	snop  }
0x3c: {  	p2 =	seq.s32 s10, $0x1;
	s10 =	sld [smem:$0x3FB6]  }
0x3d: {  	_ =	shalt  }
0x3e: {  	_ =	shalt  }
0x3f: {  	_ =	shalt  }
0x40: {  	_ =	shalt  }
0x41: {  	_ =	shalt  }
0x42: {  	_ =	shalt  }
0x43: {  	_ =	shalt  }
0x44: {  	_ =	shalt  }
0x45: {  	_ =	shalt  }
0x46: {  	_ =	shalt  }
0x47: {  	_ =	shalt  }
0x48: {  	_ =	shalt  }
0x49: {  	_ =	shalt  }
0x4a: {  	_ =	shalt  }
0x4b: {  	_ =	shalt  }
0x4c: {  	_ =	shalt  }
0x4d: {  	_ =	shalt  }
0x4e: {  	_ =	shalt  }
0x4f: {  	_ =	shalt  }
0x50: {  	_ =	shalt  }
0x51: {  	_ =	shalt  }
0x52: {  	_ =	shalt  }
0x53: {  	_ =	shalt  }
0x54: {  	_ =	shalt  }
0x55: {  	_ =	shalt  }
0x56: {  	_ =	shalt  }
0x57: {  	_ =	shalt  }
0x58: {  	_ =	shalt  }
0x59: {  	_ =	shalt  }
0x5a: {  	_ =	shalt  }
0x5b: {  	_ =	shalt  }
0x5c: {  	_ =	shalt  }
0x5d: {  	_ =	shalt  }
0x5e: {  	_ =	shalt  }
0x5f: {  	_ =	shalt  }
0x60: {  	_ =	shalt  }
0x61: {  	_ =	shalt  }
0x62: {  	_ =	shalt  }
0x63: {  	_ =	shalt  }
0x64: {  	_ =	shalt  }
0x65: {  	_ =	shalt  }
0x66: {  	_ =	shalt  }
0x67: {  	_ =	shalt  }
0x68: {  	_ =	shalt  }
0x69: {  	_ =	shalt  }
0x6a: {  	_ =	shalt  }
0x6b: {  	_ =	shalt  }
0x6c: {  	_ =	shalt  }
0x6d: {  	_ =	shalt  }
0x6e: {  	_ =	shalt  }
0x6f: {  	_ =	shalt  }
0x70: {  	_ =	shalt  }
0x71: {  	_ =	shalt  }
0x72: {  	_ =	shalt  }
0x73: {  	_ =	shalt  }
0x74: {  	_ =	shalt  }
0x75: {  	_ =	shalt  }
0x76: {  	_ =	shalt  }
0x77: {  	_ =	shalt  }
0x78: {  	_ =	shalt  }
0x79: {  	_ =	shalt  }
0x7a: {  	_ =	shalt  }
0x7b: {  	_ =	shalt  }
0x7c: {  	_ =	shalt  }
0x7d: {  	_ =	shalt  }
0x7e: {  	_ =	shalt  }
0x7f: {  	_ =	shalt  }
0x80: {  	_ =	shalt  }
0x81: {  	_ =	shalt  }
0x82: {  	_ =	shalt  }
0x83: {  	_ =	shalt  }
0x84: {  	_ =	shalt  }
0x85: {  	_ =	shalt  }
0x86: {  	_ =	shalt  }
0x87: {  	_ =	shalt  }
.Lfunc_end0:
.L_simem_size_0:
called_computation_lowered:
.L_overlay_start_0:
0x88: {  	s2 =	sld [smem:$0x3FD9]  }
0x89: {  	s3 =	sld [smem:$0x3FFE];
	_ =	sdelay $0x1  }
0x8a: {  	s1 =	srdreg.scid  }
0x8b: {  	s0 =	sand.u32 $0x1, s1  }
0x8c: {  	s17 =	sshll.u32 s0, $0xA;
	s2 =	sadd.s32 s3, s2  }
0x8d: {  	s2 =	sadd.s32 s2, s17  }
0x8e: {  	[smem:$0x3FC2] =	sst s2  }
0x8f: {  	_ = 	snop  }
0x90: {  	s2 =	sld [smem:$0x3FC9]  }
0x91: {  	s18 =	sld [smem:$0x3FD0];
	(tm) =	ssettm $0x1  }
0x92: {  	s4 =	sld [smem:$0x3FFB];
	_ =	sdelay $0x3  }
0x93: {  	_ =	strace s4  }
0x94: {  	s4 =	sld [smem:$0x3FFC];
	_ =	sdelay $0x3  }
0x95: {  	_ =	strace s4  }
0x96: {  	s4 =	sld [smem:$0x3FFD];
	_ =	sdelay $0x3  }
0x97: {  	_ =	strace s4  }
0x98: {  	_ =	strace $0x8FFFFFFF  }
0x99: {  	s19 =	sld [smem:$0x3FDB];
	_ =	sdelay $0x1  }
0x9a: {  	s5 =	simm.s32 $_scs_section_size  }
0x9b: {  	s6 =	simm.s32 $_size__tile_overlayer_lowered;
	s7 =	simm.s32 $_tile_overlayer_lowered  }
0x9c: {  	s22 =	simm.s32 $0x1BFF;
	s21 =	sshll.u32 s7, $0x1;
	s4 =	sadd.s32 s5, s19  }
0x9d: {  	s8 =	simm.s32 $0x0;
	s20 =	sshll.u32 s6, $0x1;
	s6 =	sadd.s32 s21, s4  }
0x9e: {  	[timem:s8], [sflag:s22] =	dma.local [hbm:s6], s20  }
0x9f: {  	_ =	swait.ge [sflag:s22], s20  }
0xa0: {  	s5 =	ssub.s32 $0x0, s20;
	[sflag:s22] =	ssyncset.done $0x0  }
0xa1: {  	[sflag:s22] =	ssyncadd.s32 s5;
	_ =	sdelay $0x1  }
0xa2: {  	s23 =	simm.s32 $0x1B8B  }
0xa3: {  	_ =	swait.ge [sflag:s23], $0x1  }
0xa4: {  	[sflag:s23] =	ssyncset.done $0x0  }
0xa5: {  	s25 =	simm.s32 $0x1B8E;
	s24 =	sld [smem:$0x3FFE];
	[sflag:s23] =	ssyncadd.s32 $0xFFFFFFFF  }
0xa6: {  	s26 =	simm.s32 $execute0_lowered;
	[smem:$0x3FD2] =	sst s25  }
0xa7: {  	s6 =	sshll.u32 s26, $0x1;
	_ =	strace $0x80000046;
	[dreg:$0x1] =	wrdreg $0xFFFFFFFF  }
0xa8: {  	s28 =	simm.s32 $_size_execute0_lowered;
	s4 =	sadd.s32 s4, s6;
	[dreg:$0x0] =	wrdreg $0x0  }
0xa9: {  	s6 =	sshll.u32 s28, $0x1;
	[dreg:$0x2] =	wrdreg s4  }
0xaa: {  	[dreg:$0x3] =	wrdreg s6  }
0xab: {  	[dreg:$0x4] =	wrdreg $0xC0  }
0xac: {  	_ =	task [dreg:s8], $0x5FFFF  }
0xad: {  	[dreg:$0x1] =	wrdreg $0xFFFFFFFF  }
0xae: {  	[dreg:$0x0] =	wrdreg $0x60  }
0xaf: {  	[dreg:$0x2] =	wrdreg s2  }
0xb0: {  	[dreg:$0x3] =	wrdreg s24  }
0xb1: {  	[dreg:$0x4] =	wrdreg s18  }
0xb2: {  	[dreg:$0x5] =	wrdreg $0x9  }
0xb3: {  	_ =	task.clear_ibuf [dreg:s8], $0x6FFFF;
	_ =	strace $0x90000046  }
0xb4: {  	s29 =	simm.s32 $0x9;
	_ =	strace $0x80000048  }
0xb5: {  	_ =	swait.ge [sflag:s29], $0x1  }
0xb6: {  	[sflag:s29] =	ssyncadd.s32 $0xFFFFFFFF  }
0xb7: {  	_ =	strace $0x90000048  }
0xb8: {  	_ =	sfence  }
0xb9: {  	s30 =	sld [smem:$0x0];
	_ =	sdelay $0x2  }
0xba: {  	s31 =	sshll.u32 s1, $0xD;
	s1 =	sshrl.u32 s1, $0x2  }
0xbb: {  	s3 =	sand.u32 $0x4000, s31;
	s1 =	sadd.s32 s1, s30  }
0xbc: {  	s0 =	sor.u32 s3, s0;
	s1 =	sshll.u32 s1, $0x11  }
0xbd: {  	s0 =	sor.u32 s1, s0  }
0xbe: {  	s0 =	sadd.s32 $0x8F2B, s0  }
0xbf: {  	[sflag:s0] =	ssyncadd.remote.s32 $0x1  }
0xc0: {  	_ =	sfence.sel $0xFFFF  }
0xc1: {  	[dreg:$0x0] =	wrdreg $0xFFFFFFFF;
	(pc) =	sbr.abs _section_cstart, $3  }
0xc2: {  	[dreg:$0x1] =	wrdreg $0xFFFFFFFF  }
0xc3: {  	_ =	task.clear_ibuf [dreg:s8], $0x2FFFF;
	_ =	strace $0x9FFFFFFF  }
0xc4: {  	(tm) =	ssettm $0x7FFFFFFF  }
0xc5: {  	_ =	shalt  }
tec
execute0_lowered:
.L_overlay_start_1:
0x0: {  	(tag) =	ssettag $0x1  }
0x1: {  	s1 =	rddreg [dreg:$0x0]  }
0x2: {  	s5 =	rddreg [dreg:$0x1];
	s2 =	srdreg.scid  }
0x3: {  	s3 =	rddreg [dreg:$0x2];
	s0 =	stileid.u32;
	s8 =	simm.s32 $0xC080  }
0x4: {  	s23 =	simm.s32 $0x880;
	s9 =	simm.s32 $0x1;
	s24 =	simm.s32 $0x1080  }
0x5: {  	s10 =	simm.s32 $0x2;
	s25 =	simm.s32 $0x1880;
	s11 =	simm.s32 $0x3  }
0x6: {  	s26 =	simm.s32 $0x2080;
	s13 =	simm.s32 $0x3080;
	s14 =	simm.s32 $0x3880  }
0x7: {  	s15 =	simm.s32 $0x4080;
	s16 =	simm.s32 $0x4880;
	s17 =	simm.s32 $0x5080  }
0x8: {  	s18 =	simm.s32 $0x5880;
	s19 =	simm.s32 $0x6080;
	s28 =	simm.s32 $0xA080  }
0x9: {  	s4 =	sand.u32 $0x1, s2;
	[dreg:$0x4] =	wrdreg s3;
	s2 =	simm.s32 $0x0  }
0xa: {  	s29 =	simm.s32 $0xA880;
	s30 =	simm.s32 $0xB080;
	[smem:$0x7FF] =	sst s2  }
0xb: {  	s31 =	simm.s32 $0xB880;
	_ =	strace $0x80000047;
	[dreg:$0x8] =	wrdreg s23  }
0xc: {  	s20 =	sshll.u32 s0, $0x7;
	s6 =	sshll.u32 s4, $0x6;
	[dreg:$0x9] =	wrdreg s24  }
0xd: {  	s4 =	ssub.s32 $0x2, s4;
	s3 =	sor.u32 s6, s20;
	[dreg:$0xa] =	wrdreg s25  }
0xe: {  	s21 =	sshrl.u32 s4, $0x1;
	[dreg:$0xb] =	wrdreg s26;
	s20 =	simm.s32 $0x6880  }
0xf: {  	s23 =	simm.s32 $0x8080;
	s24 =	simm.s32 $0x8880;
	s25 =	simm.s32 $0x9080  }
0x10: {  	s26 =	simm.s32 $0x9880;
	s6 =	sshrl.u32 s3, $0x3;
	s3 =	sshll.u32 s3, $0x4  }
0x11: {  	s7 =	sadd.s32 s6, s5;
	s6 =	smul.u32 $0x300, s6;
	s3 =	sadd.s32 s3, s5  }
0x12: {  	s7 =	sadd.s32 $0x8C00, s7;
	s22 =	sadd.s32 $0xC00, s3;
	s3 =	sadd.s32 $0x8E00, s5  }
0x13: {  	[dreg:$0x5] =	wrdreg s7;
	s1 =	sadd.s32 s1, s6;
	s6 =	ssub.s32 s4, s21  }
0x14: {  	v2 =	vlaneseq.u32;
	[dreg:$0x7] =	wrdreg s22;
	s4 =	sadd.s32 $0x8F00, s5;
	s5 =	sadd.s32 $0x9000, s5  }
0x15: {  	vm0 =	vmmov $0xffff;
	v1 =	vshrl.u32 v2, $0x3;
	s7 =	simm.s32 $0x80;
	s21 =	simm.s32 $0x7080;
	s22 =	simm.s32 $0x7880  }
0x16: {  	v0 =	vand.u32 $0x7, v2;
	v2 =	vor.u32 $0x8, v2;
	v1 =	vmul.u32 $0x8, v1;
	[dreg:$0x6] =	wrdreg s1;
	s6 =	smax.u32 s6, $0x1;
	s1 =	simm.s32 $0x40  }
.LBB2_1:
0x17: {  	s0 =	rddreg [dreg:$0x5]  }
0x18: {  	[tilespmem:s2], [sflag:$0x1] =	stream.linear.gather [hbm4b:s0+s2], $0x40, $0x38;
	[tilespmem:$0xE080] =	vst v63  }
0x19: {  	s12 =	rddreg [dreg:$0x6]  }
0x1a: {  	[tilespmem:s7], [sflag:$0x2] =	stream.linear.gather [hbm4b:s12+s2], $0xC000, $0x38;
	[tilespmem:$0xE080] =	vst v63  }
0x1b: {  	s0 =	rddreg [dreg:$0x7]  }
0x1c: {  	[tilespmem:s8], [sflag:$0x3] =	stream.linear.gather [hbm4b:s0+s2], $0x2000, $0x38;
	[tilespmem:$0xE080] =	vst v63  }
0x1d: {  	_ =	swait.ge [sflag:s9], $0x40  }
0x1e: {  	[sflag:s9] =	ssyncset.done $0x0  }
0x1f: {  	[sflag:s9] =	ssyncadd.s32 $0xFFFFFFC0  }
0x20: {  	_ =	swait.ge [sflag:s10], $0xC000  }
0x21: {  	[sflag:s10] =	ssyncset.done $0x0  }
0x22: {  	[sflag:s10] =	ssyncadd.s32 $0xFFFF4000  }
0x23: {  	_ =	swait.ge [sflag:s11], $0x2000  }
0x24: {  	[sflag:s11] =	ssyncset.done $0x0  }
0x25: {  	[sflag:s11] =	ssyncadd.s32 $0xFFFFE000  }
0x26: {  	v3 =	vld [tilespmem:$0x0];
	_ =	sdelay $0x4  }
0x27: {  	v4 =	vshrl.u32 v3, $0x3  }
0x28: {  	v4 =	vmul.u32 $0x30, v4  }
0x29: {  	v3 =	vand.u32 $0x7, v3  }
0x2a: {  	v3 =	vor.u32 v3, v4  }
0x2b: {  	v4 =	vperm.xlane v3, v0;
	_ =	sdelay $0x1  }
0x2c: {  	v4 =	vadd.s32 v1, v4;
	_ =	sdelay $0x3  }
0x2d: {  	v3 =	vperm.xlane v3, v2  }
0x2e: {  	[hbm4b:s3+s2] =	stream.indirect_vreg.scatter [tilespmem:s7], [sflag:$0x1], $0x80, v4, vm0, $0xb8;
	[tilespmem:$0xE080] =	vst v63  }
0x2f: {  	s0 =	rddreg [dreg:$0x8];
	v3 =	vadd.s32 v1, v3  }
0x30: {  	[hbm4b:s4+s2] =	stream.indirect_vreg.scatter [tilespmem:s0], [sflag:$0x1], $0x80, v4, vm0, $0xb8;
	[tilespmem:$0xE080] =	vst v63  }
0x31: {  	s12 =	rddreg [dreg:$0x9]  }
0x32: {  	[hbm4b:s5+s2] =	stream.indirect_vreg.scatter [tilespmem:s12], [sflag:$0x1], $0x80, v4, vm0, $0xb8;
	[tilespmem:$0xE080] =	vst v63  }
0x33: {  	s0 =	rddreg [dreg:$0xa]  }
0x34: {  	[hbm4b:s3+s2] =	stream.indirect_vreg.scatter [tilespmem:s0], [sflag:$0x1], $0x80, v3, vm0, $0xb8;
	[tilespmem:$0xE080] =	vst v63  }
0x35: {  	s12 =	rddreg [dreg:$0xb]  }
0x36: {  	[hbm4b:s4+s2] =	stream.indirect_vreg.scatter [tilespmem:s12], [sflag:$0x1], $0x80, v3, vm0, $0xb8;
	[tilespmem:$0xE080] =	vst v63  }
0x37: {  	s12 =	simm.s32 $0x2880  }
0x38: {  	[hbm4b:s5+s2] =	stream.indirect_vreg.scatter [tilespmem:s12], [sflag:$0x1], $0x80, v3, vm0, $0xb8;
	[tilespmem:$0xE080] =	vst v63  }
0x39: {  	v3 =	vld [tilespmem:$0x10];
	_ =	sdelay $0x4  }
0x3a: {  	v61 =	vshrl.u32 v3, $0x3  }
0x3b: {  	v4 =	vmul.u32 $0x30, v61  }
0x3c: {  	v3 =	vand.u32 $0x7, v3  }
0x3d: {  	v3 =	vor.u32 v3, v4  }
0x3e: {  	v4 =	vperm.xlane v3, v0;
	_ =	sdelay $0x1  }
0x3f: {  	v4 =	vadd.s32 v1, v4;
	_ =	sdelay $0x3  }
0x40: {  	v3 =	vperm.xlane v3, v2  }
0x41: {  	[hbm4b:s3+s2] =	stream.indirect_vreg.scatter [tilespmem:s13], [sflag:$0x1], $0x80, v4, vm0, $0xb8;
	[tilespmem:$0xE080] =	vst v63  }
0x42: {  	v3 =	vadd.s32 v1, v3  }
0x43: {  	[hbm4b:s4+s2] =	stream.indirect_vreg.scatter [tilespmem:s14], [sflag:$0x1], $0x80, v4, vm0, $0xb8;
	[tilespmem:$0xE080] =	vst v63  }
0x44: {  	_ = 	snop  }
0x45: {  	[hbm4b:s5+s2] =	stream.indirect_vreg.scatter [tilespmem:s15], [sflag:$0x1], $0x80, v4, vm0, $0xb8;
	[tilespmem:$0xE080] =	vst v63  }
0x46: {  	_ = 	snop  }
0x47: {  	[hbm4b:s3+s2] =	stream.indirect_vreg.scatter [tilespmem:s16], [sflag:$0x1], $0x80, v3, vm0, $0xb8;
	[tilespmem:$0xE080] =	vst v63  }
0x48: {  	_ = 	snop  }
0x49: {  	[hbm4b:s4+s2] =	stream.indirect_vreg.scatter [tilespmem:s17], [sflag:$0x1], $0x80, v3, vm0, $0xb8;
	[tilespmem:$0xE080] =	vst v63  }
0x4a: {  	_ = 	snop  }
0x4b: {  	[hbm4b:s5+s2] =	stream.indirect_vreg.scatter [tilespmem:s18], [sflag:$0x1], $0x80, v3, vm0, $0xb8;
	[tilespmem:$0xE080] =	vst v63  }
0x4c: {  	v3 =	vld [tilespmem:$0x20];
	_ =	sdelay $0x4  }
0x4d: {  	v62 =	vshrl.u32 v3, $0x3  }
0x4e: {  	v4 =	vmul.u32 $0x30, v62  }
0x4f: {  	v3 =	vand.u32 $0x7, v3  }
0x50: {  	v3 =	vor.u32 v3, v4  }
0x51: {  	v4 =	vperm.xlane v3, v0;
	_ =	sdelay $0x1  }
0x52: {  	v4 =	vadd.s32 v1, v4;
	_ =	sdelay $0x3  }
0x53: {  	v3 =	vperm.xlane v3, v2  }
0x54: {  	[hbm4b:s3+s2] =	stream.indirect_vreg.scatter [tilespmem:s19], [sflag:$0x1], $0x80, v4, vm0, $0xb8;
	[tilespmem:$0xE080] =	vst v63  }
0x55: {  	v3 =	vadd.s32 v1, v3  }
0x56: {  	[hbm4b:s4+s2] =	stream.indirect_vreg.scatter [tilespmem:s20], [sflag:$0x1], $0x80, v4, vm0, $0xb8;
	[tilespmem:$0xE080] =	vst v63  }
0x57: {  	_ = 	snop  }
0x58: {  	[hbm4b:s5+s2] =	stream.indirect_vreg.scatter [tilespmem:s21], [sflag:$0x1], $0x80, v4, vm0, $0xb8;
	[tilespmem:$0xE080] =	vst v63  }
0x59: {  	_ = 	snop  }
0x5a: {  	[hbm4b:s3+s2] =	stream.indirect_vreg.scatter [tilespmem:s22], [sflag:$0x1], $0x80, v3, vm0, $0xb8;
	[tilespmem:$0xE080] =	vst v63  }
0x5b: {  	_ = 	snop  }
0x5c: {  	[hbm4b:s4+s2] =	stream.indirect_vreg.scatter [tilespmem:s23], [sflag:$0x1], $0x80, v3, vm0, $0xb8;
	[tilespmem:$0xE080] =	vst v63  }
0x5d: {  	_ = 	snop  }
0x5e: {  	[hbm4b:s5+s2] =	stream.indirect_vreg.scatter [tilespmem:s24], [sflag:$0x1], $0x80, v3, vm0, $0xb8;
	[tilespmem:$0xE080] =	vst v63  }
0x5f: {  	v3 =	vld [tilespmem:$0x30];
	_ =	sdelay $0x4  }
0x60: {  	v63 =	vshrl.u32 v3, $0x3  }
0x61: {  	v4 =	vmul.u32 $0x30, v63  }
0x62: {  	v3 =	vand.u32 $0x7, v3  }
0x63: {  	v3 =	vor.u32 v3, v4  }
0x64: {  	v4 =	vperm.xlane v3, v0;
	_ =	sdelay $0x1  }
0x65: {  	v4 =	vadd.s32 v1, v4;
	_ =	sdelay $0x3  }
0x66: {  	v3 =	vperm.xlane v3, v2  }
0x67: {  	[hbm4b:s3+s2] =	stream.indirect_vreg.scatter [tilespmem:s25], [sflag:$0x1], $0x80, v4, vm0, $0xb8;
	[tilespmem:$0xE080] =	vst v63  }
0x68: {  	v3 =	vadd.s32 v1, v3  }
0x69: {  	[hbm4b:s4+s2] =	stream.indirect_vreg.scatter [tilespmem:s26], [sflag:$0x1], $0x80, v4, vm0, $0xb8;
	[tilespmem:$0xE080] =	vst v63  }
0x6a: {  	_ = 	snop  }
0x6b: {  	[hbm4b:s5+s2] =	stream.indirect_vreg.scatter [tilespmem:s28], [sflag:$0x1], $0x80, v4, vm0, $0xb8;
	[tilespmem:$0xE080] =	vst v63  }
0x6c: {  	_ = 	snop  }
0x6d: {  	[hbm4b:s3+s2] =	stream.indirect_vreg.scatter [tilespmem:s29], [sflag:$0x1], $0x80, v3, vm0, $0xb8;
	[tilespmem:$0xE080] =	vst v63  }
0x6e: {  	_ = 	snop  }
0x6f: {  	[hbm4b:s4+s2] =	stream.indirect_vreg.scatter [tilespmem:s30], [sflag:$0x1], $0x80, v3, vm0, $0xb8;
	[tilespmem:$0xE080] =	vst v63  }
0x70: {  	_ = 	snop  }
0x71: {  	[hbm4b:s5+s2] =	stream.indirect_vreg.scatter [tilespmem:s31], [sflag:$0x1], $0x80, v3, vm0, $0xb8;
	[tilespmem:$0xE080] =	vst v63  }
0x72: {  	s12 =	rddreg [dreg:$0x4]  }
0x73: {  	[hbm4b:s12+s1] =	stream.indirect.scatter [tilespmem:s8], [sflag:$0x2], $0x80, s2, s1, $0xb8;
	[tilespmem:$0xE080] =	vst v63  }
0x74: {  	p0 =	sne.s32 s6, $0x1;
	_ =	swait.ge [sflag:s9], $0xC000  }
.Ltmp0:
0x75: {  	[sflag:s9] =	ssyncset.done $0x0;
	(pc) =	sbr.rel @p0 .LBB2_1-.Ltmp0, $4  }
0x76: {  	[sflag:s9] =	ssyncadd.s32 $0xFFFF4000  }
0x77: {  	_ =	swait.ge [sflag:s10], $0x2000  }
0x78: {  	[sflag:s10] =	ssyncset.done $0x0  }
0x79: {  	s6 =	sadd.s32 $0xFFFFFFFF, s6;
	[sflag:s10] =	ssyncadd.s32 $0xFFFFE000  }
0x7a: {  	_ =	sfence.sel $0x180000  }
0x7b: {  	[bflag:$0x0] =	sbarrier.arrive $0xFFFF  }
0x7c: {  	_ =	strace $0x90000047  }
0x7d: {  	s0 =	stileid.u32;
	[bflag:$0x2] =	sbarrier.arrive $0xFFFF  }
0x7e: {  	p0 =	sne.s32 s0, $0x0;
	s0 =	rddreg [dreg:$0x3]  }
0x7f: {  	s0 =	sadd.s32 @!p0 $0x100000, s0  }
0x80: {  	[sflag:s0] =	ssyncadd.tile.s32 @!p0 $0x1;
	_ =	shalt  }
.Lfunc_end2:
_tile_overlayer_lowered:
.L_overlay_start_2:
0x81: {  	(tag) =	ssettag $0x2  }
0x82: {  	s0 =	rddreg [dreg:$0x0];
	s2 =	stileid.u32  }
0x83: {  	s1 =	rddreg [dreg:$0x1];
	p0 =	sne.s32 s2, $0x0  }
0x84: {  	s3 =	rddreg [dreg:$0x2];
	[bflag:$0x3] =	sbarrier.arrive $0xFFFF;
	s2 =	simm.s32 @!p0 $0x1C04  }
0x85: {  	[timem:s3], [sflag:s2] =	dma.local @!p0 [hbm:s0], s1  }
0x86: {  	s0 =	simm.s32 @!p0 $0x4  }
0x87: {  	_ =	swait.ge @!p0 [sflag:s0], s1  }
0x88: {  	s1 =	ssub.s32 @!p0 $0x0, s1;
	[sflag:s0] =	ssyncset.done @!p0 $0x0  }
0x89: {  	[sflag:s0] =	ssyncadd.s32 @!p0 s1  }
0x8a: {  	[bflag:$0x3] =	sbarrier.arrive $0xFFFF  }
0x8b: {  	_ =	shalt  }

// kernel: kernel.9.cloned.1.call-start
scs
__scs_entry_jumppad:
0x0: {  	(pc) =	sbr.rel $0x88, $3  }
0x1: {  	(tag) =	ssettag $0x0;
	lr =	simm.s32 $0x1  }
0x2: {  	[smem:$0x3F9B] =	sst lr;
	_ =	strace $0xD0000000  }
0x3: {  	_ = 	snop  }
0x4: {  	_ = 	snop  }
0x5: {  	_ = 	snop  }
0x6: {  	_ = 	snop  }
0x7: {  	_ = 	snop  }
__scs_overlays_trampoline_lowered:
0x8: {  	[smem:$0x3FAA] =	sst s0  }
0x9: {  	[smem:$0x3FAB] =	sst s1  }
0xa: {  	[smem:$0x3FAC] =	sst s2  }
0xb: {  	[smem:$0x3FAD] =	sst s3  }
0xc: {  	[smem:$0x3FAE] =	sst s4  }
0xd: {  	[smem:$0x3FAF] =	sst s5  }
0xe: {  	[smem:$0x3FB0] =	sst s6  }
0xf: {  	[smem:$0x3FB1] =	sst s7  }
0x10: {  	[smem:$0x3FB2] =	sst s8  }
0x11: {  	[smem:$0x3FB3] =	sst s9;
	s0 =	simm.s32 @!p0 $0x0  }
0x12: {  	s1 =	sld [smem:$0x3F99];
	s0 =	simm.s32 @p0 $0x1  }
0x13: {  	[smem:$0x3FB4] =	sst s0;
	s0 =	simm.s32 @!p1 $0x0  }
0x14: {  	s2 =	sld [smem:$0x3F98];
	s0 =	simm.s32 @p1 $0x1  }
0x15: {  	[smem:$0x3FB5] =	sst s0;
	s0 =	simm.s32 @!p2 $0x0  }
0x16: {  	s3 =	sld [smem:$0x3FDB];
	s0 =	simm.s32 @p2 $0x1  }
0x17: {  	s4 =	simm.s32 $0x1BF5;
	[smem:$0x3FB7] =	sst s0  }
0x18: {  	s0 =	sld [smem:$0x3F9A];
	_ =	swait.ge [sflag:s4], $0x0  }
0x19: {  	s7 =	sld [smem:$0x3F9B]  }
0x1a: {  	s8 =	sadd.s32 $0xFFFFE003, lr  }
0x1b: {  	s9 =	sadd.s32 $0xFFFFFEF7, lr;
	s5 =	simm.s32 $0xFFFFFFFF;
	p2 =	slt.u32 s8, $0xFFFFF086  }
0x1c: {  	p1 =	slt.u32 s9, $0xF7A;
	s5 =	simm.s32 @!p2 $0x0  }
0x1d: {  	s5 =	simm.s32 @p1 $0x1;
	p0 =	seq.s32 s7, s2  }
0x1e: {  	s7 =	smul.u32 @!p0 $0xF7A, s2;
	p2 =	seq.s32 @!p0 s5, $0x0  }
0x1f: {  	s9 =	smul.u32 $0xF7A, s1;
	s8 =	simm.s32 @!p0 $0x1BF5;
	p2 =	por !p2, p0  }
0x20: {  	[sflag:s8] =	ssyncset.s32 @!p0 $0xFFFFF086;
	s6 =	sadd.s32 @!p0 s3, s7;
	s7 =	simm.s32 @!p0 $0x108  }
0x21: {  	s3 =	sadd.s32 s3, s9;
	s6 =	sadd.s32 @!p0 $0x88, s6;
	s7 =	simm.s32 @p2 $0x1082  }
0x22: {  	[simem:s7], [sflag:s8] =	dma.local @!p0 [hbm:s6], $0xF7A  }
0x23: {  	s9 =	sor.u32 $0xD0000000, s2;
	s6 =	simm.s32 $0x108;
	_ =	swait.ge @!p0 [sflag:s8], $0x0  }
0x24: {  	s3 =	sadd.s32 $0x88, s3;
	s6 =	simm.s32 @!p1 $0x1082;
	[sflag:s4] =	ssyncset.s32 $0xFFFFF086  }
0x25: {  	[simem:s6], [sflag:s4] =	dma.local [hbm:s3], $0xF7A  }
0x26: {  	[smem:$0x3F9B] =	sst s1;
	(tag) =	ssettag s2;
	_ =	strace s9  }
0x27: {  	s1 =	sld [smem:$0x3FAB]  }
0x28: {  	s2 =	sld [smem:$0x3FAC]  }
0x29: {  	s4 =	sld [smem:$0x3FAE]  }
0x2a: {  	p0 =	seq.s32 s5, $0x0;
	s5 =	sld [smem:$0x3FAF]  }
0x2b: {  	s6 =	sld [smem:$0x3FB0]  }
0x2c: {  	s7 =	sld [smem:$0x3FB1]  }
0x2d: {  	s3 =	simm.s32 $0x108;
	s8 =	sld [smem:$0x3FB2]  }
0x2e: {  	s3 =	simm.s32 @!p0 $0x1082;
	s9 =	sld [smem:$0x3FB3]  }
0x2f: {  	lr =	sadd.s32 s0, s3;
	s0 =	sld [smem:$0x3FAA]  }
0x30: {  	s3 =	sld [smem:$0x3FAD]  }
0x31: {  	[smem:$0x3FB6] =	sst s10  }
0x32: {  	s10 =	sld [smem:$0x3FB4];
	_ =	sdelay $0x3  }
0x33: {  	p0 =	seq.s32 s10, $0x1;
	s10 =	sld [smem:$0x3FB6];
	_ =	sdelay $0x3  }
0x34: {  	[smem:$0x3FB6] =	sst s10  }
0x35: {  	s10 =	sld [smem:$0x3FB5];
	_ =	sdelay $0x3  }
0x36: {  	p1 =	seq.s32 s10, $0x1;
	s10 =	sld [smem:$0x3FB6];
	_ =	sdelay $0x3  }
0x37: {  	[smem:$0x3FB6] =	sst s10  }
0x38: {  	s10 =	sld [smem:$0x3FB7]  }
0x39: {  	_ = 	snop;
	(pc) =	sbr.ind lr, $3  }
0x3a: {  	_ = 	snop  }
0x3b: {  	_ = 	snop  }
0x3c: {  	p2 =	seq.s32 s10, $0x1;
	s10 =	sld [smem:$0x3FB6]  }
0x3d: {  	_ =	shalt  }
0x3e: {  	_ =	shalt  }
0x3f: {  	_ =	shalt  }
0x40: {  	_ =	shalt  }
0x41: {  	_ =	shalt  }
0x42: {  	_ =	shalt  }
0x43: {  	_ =	shalt  }
0x44: {  	_ =	shalt  }
0x45: {  	_ =	shalt  }
0x46: {  	_ =	shalt  }
0x47: {  	_ =	shalt  }
0x48: {  	_ =	shalt  }
0x49: {  	_ =	shalt  }
0x4a: {  	_ =	shalt  }
0x4b: {  	_ =	shalt  }
0x4c: {  	_ =	shalt  }
0x4d: {  	_ =	shalt  }
0x4e: {  	_ =	shalt  }
0x4f: {  	_ =	shalt  }
0x50: {  	_ =	shalt  }
0x51: {  	_ =	shalt  }
0x52: {  	_ =	shalt  }
0x53: {  	_ =	shalt  }
0x54: {  	_ =	shalt  }
0x55: {  	_ =	shalt  }
0x56: {  	_ =	shalt  }
0x57: {  	_ =	shalt  }
0x58: {  	_ =	shalt  }
0x59: {  	_ =	shalt  }
0x5a: {  	_ =	shalt  }
0x5b: {  	_ =	shalt  }
0x5c: {  	_ =	shalt  }
0x5d: {  	_ =	shalt  }
0x5e: {  	_ =	shalt  }
0x5f: {  	_ =	shalt  }
0x60: {  	_ =	shalt  }
0x61: {  	_ =	shalt  }
0x62: {  	_ =	shalt  }
0x63: {  	_ =	shalt  }
0x64: {  	_ =	shalt  }
0x65: {  	_ =	shalt  }
0x66: {  	_ =	shalt  }
0x67: {  	_ =	shalt  }
0x68: {  	_ =	shalt  }
0x69: {  	_ =	shalt  }
0x6a: {  	_ =	shalt  }
0x6b: {  	_ =	shalt  }
0x6c: {  	_ =	shalt  }
0x6d: {  	_ =	shalt  }
0x6e: {  	_ =	shalt  }
0x6f: {  	_ =	shalt  }
0x70: {  	_ =	shalt  }
0x71: {  	_ =	shalt  }
0x72: {  	_ =	shalt  }
0x73: {  	_ =	shalt  }
0x74: {  	_ =	shalt  }
0x75: {  	_ =	shalt  }
0x76: {  	_ =	shalt  }
0x77: {  	_ =	shalt  }
0x78: {  	_ =	shalt  }
0x79: {  	_ =	shalt  }
0x7a: {  	_ =	shalt  }
0x7b: {  	_ =	shalt  }
0x7c: {  	_ =	shalt  }
0x7d: {  	_ =	shalt  }
0x7e: {  	_ =	shalt  }
0x7f: {  	_ =	shalt  }
0x80: {  	_ =	shalt  }
0x81: {  	_ =	shalt  }
0x82: {  	_ =	shalt  }
0x83: {  	_ =	shalt  }
0x84: {  	_ =	shalt  }
0x85: {  	_ =	shalt  }
0x86: {  	_ =	shalt  }
0x87: {  	_ =	shalt  }
.Lfunc_end0:
.L_simem_size_0:
called_computation.1_lowered:
.L_overlay_start_0:
0x88: {  	s2 =	sld [smem:$0x3FD9]  }
0x89: {  	s3 =	sld [smem:$0x3FFE];
	_ =	sdelay $0x1  }
0x8a: {  	s1 =	srdreg.scid  }
0x8b: {  	s0 =	sand.u32 $0x1, s1  }
0x8c: {  	s17 =	sshll.u32 s0, $0xA;
	s2 =	sadd.s32 s3, s2  }
0x8d: {  	s2 =	sadd.s32 s2, s17  }
0x8e: {  	[smem:$0x3FC2] =	sst s2  }
0x8f: {  	_ = 	snop  }
0x90: {  	s2 =	sld [smem:$0x3FD0];
	(tm) =	ssettm $0x1  }
0x91: {  	s18 =	sld [smem:$0x3FFB];
	_ =	sdelay $0x3  }
0x92: {  	_ =	strace s18  }
0x93: {  	s3 =	sld [smem:$0x3FFC];
	_ =	sdelay $0x3  }
0x94: {  	_ =	strace s3  }
0x95: {  	s3 =	sld [smem:$0x3FFD];
	_ =	sdelay $0x3  }
0x96: {  	_ =	strace s3  }
0x97: {  	_ =	strace $0x8FFFFFFF  }
0x98: {  	s19 =	sld [smem:$0x3FDB];
	_ =	sdelay $0x1  }
0x99: {  	s4 =	simm.s32 $_scs_section_size  }
0x9a: {  	s5 =	simm.s32 $_size__tile_overlayer_lowered;
	s6 =	simm.s32 $_tile_overlayer_lowered  }
0x9b: {  	s22 =	simm.s32 $0x1BFF;
	s21 =	sshll.u32 s6, $0x1;
	s3 =	sadd.s32 s4, s19  }
0x9c: {  	s7 =	simm.s32 $0x0;
	s20 =	sshll.u32 s5, $0x1;
	s5 =	sadd.s32 s21, s3  }
0x9d: {  	[timem:s7], [sflag:s22] =	dma.local [hbm:s5], s20  }
0x9e: {  	_ =	swait.ge [sflag:s22], s20  }
0x9f: {  	s4 =	ssub.s32 $0x0, s20;
	[sflag:s22] =	ssyncset.done $0x0  }
0xa0: {  	[sflag:s22] =	ssyncadd.s32 s4;
	_ =	sdelay $0x1  }
0xa1: {  	s23 =	simm.s32 $0x1B8B  }
0xa2: {  	_ =	swait.ge [sflag:s23], $0x1  }
0xa3: {  	[sflag:s23] =	ssyncset.done $0x0  }
0xa4: {  	s25 =	simm.s32 $0x1B8E;
	s24 =	sld [smem:$0x3FFE];
	[sflag:s23] =	ssyncadd.s32 $0xFFFFFFFF  }
0xa5: {  	s26 =	simm.s32 $execute0_lowered;
	[smem:$0x3FD2] =	sst s25  }
0xa6: {  	s5 =	sshll.u32 s26, $0x1;
	_ =	strace $0x80000049;
	[dreg:$0x1] =	wrdreg $0xFFFFFFFF  }
0xa7: {  	s28 =	simm.s32 $_size_execute0_lowered;
	s3 =	sadd.s32 s3, s5;
	[dreg:$0x0] =	wrdreg $0x0  }
0xa8: {  	s5 =	sshll.u32 s28, $0x1;
	[dreg:$0x2] =	wrdreg s3  }
0xa9: {  	[dreg:$0x3] =	wrdreg s5  }
0xaa: {  	[dreg:$0x4] =	wrdreg $0xC0  }
0xab: {  	_ =	task [dreg:s7], $0x5FFFF  }
0xac: {  	[dreg:$0x1] =	wrdreg $0xFFFFFFFF  }
0xad: {  	[dreg:$0x0] =	wrdreg $0x60  }
0xae: {  	[dreg:$0x2] =	wrdreg s24  }
0xaf: {  	[dreg:$0x3] =	wrdreg s2  }
0xb0: {  	[dreg:$0x4] =	wrdreg $0x9  }
0xb1: {  	_ =	task.clear_ibuf [dreg:s7], $0x5FFFF;
	_ =	strace $0x90000049  }
0xb2: {  	s29 =	simm.s32 $0x9;
	_ =	strace $0x8000004B  }
0xb3: {  	_ =	swait.ge [sflag:s29], $0x1  }
0xb4: {  	[sflag:s29] =	ssyncadd.s32 $0xFFFFFFFF  }
0xb5: {  	_ =	strace $0x9000004B  }
0xb6: {  	_ =	sfence  }
0xb7: {  	s30 =	sld [smem:$0x0];
	_ =	sdelay $0x2  }
0xb8: {  	s31 =	sshll.u32 s1, $0xD;
	s1 =	sshrl.u32 s1, $0x2  }
0xb9: {  	s3 =	sand.u32 $0x4000, s31;
	s1 =	sadd.s32 s1, s30  }
0xba: {  	s0 =	sor.u32 s3, s0;
	s1 =	sshll.u32 s1, $0x11  }
0xbb: {  	s0 =	sor.u32 s1, s0  }
0xbc: {  	s0 =	sadd.s32 $0x8F2B, s0  }
0xbd: {  	[sflag:s0] =	ssyncadd.remote.s32 $0x1  }
0xbe: {  	_ =	sfence.sel $0xFFFF  }
0xbf: {  	[dreg:$0x0] =	wrdreg $0xFFFFFFFF;
	(pc) =	sbr.abs _section_cstart, $3  }
0xc0: {  	[dreg:$0x1] =	wrdreg $0xFFFFFFFF  }
0xc1: {  	_ =	task.clear_ibuf [dreg:s7], $0x2FFFF;
	_ =	strace $0x9FFFFFFF  }
0xc2: {  	(tm) =	ssettm $0x7FFFFFFF  }
0xc3: {  	_ =	shalt  }
tec
execute0_lowered:
.L_overlay_start_1:
0x0: {  	(tag) =	ssettag $0x1  }
0x1: {  	s0 =	rddreg [dreg:$0x0]  }
0x2: {  	s5 =	rddreg [dreg:$0x1];
	s3 =	srdreg.scid  }
0x3: {  	s2 =	simm.s32 $0x0;
	s1 =	stileid.u32;
	s26 =	simm.s32 $0x880  }
0x4: {  	s10 =	simm.s32 $0x1880;
	s11 =	simm.s32 $0x2080;
	s12 =	simm.s32 $0x2880  }
0x5: {  	s13 =	simm.s32 $0x3080;
	s14 =	simm.s32 $0x3880;
	s15 =	simm.s32 $0x4080  }
0x6: {  	s16 =	simm.s32 $0x4880;
	s17 =	simm.s32 $0x5080;
	s18 =	simm.s32 $0x5880  }
0x7: {  	s19 =	simm.s32 $0x6080;
	s20 =	simm.s32 $0x6880;
	s21 =	simm.s32 $0x7080  }
0x8: {  	s22 =	simm.s32 $0x7880;
	s28 =	simm.s32 $0xA080;
	s29 =	simm.s32 $0xA880  }
0x9: {  	s30 =	simm.s32 $0xB080;
	s31 =	simm.s32 $0xB880;
	s3 =	sand.u32 $0x1, s3  }
0xa: {  	[smem:$0x7FF] =	sst s2;
	s4 =	sshll.u32 s1, $0x4;
	s6 =	sshll.u32 s3, $0x3  }
0xb: {  	_ =	strace $0x8000004A;
	s23 =	ssub.s32 $0x2, s3;
	s3 =	sadd.s32 $0x4F000, s0  }
0xc: {  	[dreg:$0x5] =	wrdreg s26;
	s26 =	simm.s32 $0x9880;
	s4 =	sor.u32 s6, s4  }
0xd: {  	s8 =	sshrl.u32 s23, $0x1;
	s7 =	sadd.s32 s4, s0;
	s9 =	smul.u32 $0x300, s4  }
0xe: {  	s6 =	ssub.s32 s23, s8;
	s4 =	sadd.s32 $0x4F100, s0;
	s8 =	simm.s32 $0x80  }
0xf: {  	s23 =	simm.s32 $0x8080;
	s24 =	sadd.s32 $0x8C00, s7;
	s6 =	smax.u32 s6, $0x1  }
0x10: {  	v2 =	vlaneseq.u32;
	s7 =	simm.s32 $0x2;
	[dreg:$0x3] =	wrdreg s24;
	s25 =	sadd.s32 s5, s9  }
0x11: {  	vm0 =	vmmov $0xffff;
	v1 =	vshrl.u32 v2, $0x3;
	s5 =	sadd.s32 $0x4F200, s0;
	s9 =	simm.s32 $0x1080;
	s24 =	simm.s32 $0x8880  }
0x12: {  	v0 =	vand.u32 $0x7, v2;
	v2 =	vor.u32 $0x8, v2;
	v1 =	vmul.u32 $0x8, v1;
	s0 =	simm.s32 $0x1;
	[dreg:$0x4] =	wrdreg s25;
	s25 =	simm.s32 $0x9080  }
.LBB2_1:
0x13: {  	s1 =	rddreg [dreg:$0x3]  }
0x14: {  	[tilespmem:s2], [sflag:$0x2] =	stream.linear.gather [hbm4b:s1+s2], $0x40, $0x38;
	[tilespmem:$0xC080] =	vst v63  }
0x15: {  	_ =	swait.ge [sflag:s7], $0x40  }
0x16: {  	[sflag:s7] =	ssyncset.done $0x0  }
0x17: {  	[sflag:s7] =	ssyncadd.s32 $0xFFFFFFC0  }
0x18: {  	v3 =	vld [tilespmem:$0x0];
	_ =	sdelay $0x4  }
0x19: {  	v4 =	vshrl.u32 v3, $0x3  }
0x1a: {  	v4 =	vmul.u32 $0x30, v4  }
0x1b: {  	v3 =	vand.u32 $0x7, v3  }
0x1c: {  	v3 =	vor.u32 v3, v4  }
0x1d: {  	v4 =	vperm.xlane v3, v0;
	_ =	sdelay $0x1  }
0x1e: {  	v4 =	vadd.s32 v1, v4;
	_ =	sdelay $0x3  }
0x1f: {  	v3 =	vperm.xlane v3, v2  }
0x20: {  	[tilespmem:s8], [sflag:$0x1] =	stream.indirect_vreg.gather [hbm4b:s3+s2], $0x80, v4, vm0, $0xb8;
	[tilespmem:$0xC080] =	vst v63  }
0x21: {  	s1 =	rddreg [dreg:$0x5];
	v3 =	vadd.s32 v1, v3  }
0x22: {  	[tilespmem:s1], [sflag:$0x1] =	stream.indirect_vreg.gather [hbm4b:s4+s2], $0x80, v4, vm0, $0xb8;
	[tilespmem:$0xC080] =	vst v63  }
0x23: {  	_ = 	snop  }
0x24: {  	[tilespmem:s9], [sflag:$0x1] =	stream.indirect_vreg.gather [hbm4b:s5+s2], $0x80, v4, vm0, $0xb8;
	[tilespmem:$0xC080] =	vst v63  }
0x25: {  	_ = 	snop  }
0x26: {  	[tilespmem:s10], [sflag:$0x1] =	stream.indirect_vreg.gather [hbm4b:s3+s2], $0x80, v3, vm0, $0xb8;
	[tilespmem:$0xC080] =	vst v63  }
0x27: {  	_ = 	snop  }
0x28: {  	[tilespmem:s11], [sflag:$0x1] =	stream.indirect_vreg.gather [hbm4b:s4+s2], $0x80, v3, vm0, $0xb8;
	[tilespmem:$0xC080] =	vst v63  }
0x29: {  	_ = 	snop  }
0x2a: {  	[tilespmem:s12], [sflag:$0x1] =	stream.indirect_vreg.gather [hbm4b:s5+s2], $0x80, v3, vm0, $0xb8;
	[tilespmem:$0xC080] =	vst v63  }
0x2b: {  	v3 =	vld [tilespmem:$0x10];
	_ =	sdelay $0x4  }
0x2c: {  	v61 =	vshrl.u32 v3, $0x3  }
0x2d: {  	v4 =	vmul.u32 $0x30, v61  }
0x2e: {  	v3 =	vand.u32 $0x7, v3  }
0x2f: {  	v3 =	vor.u32 v3, v4  }
0x30: {  	v4 =	vperm.xlane v3, v0;
	_ =	sdelay $0x1  }
0x31: {  	v4 =	vadd.s32 v1, v4;
	_ =	sdelay $0x3  }
0x32: {  	v3 =	vperm.xlane v3, v2  }
0x33: {  	[tilespmem:s13], [sflag:$0x1] =	stream.indirect_vreg.gather [hbm4b:s3+s2], $0x80, v4, vm0, $0xb8;
	[tilespmem:$0xC080] =	vst v63  }
0x34: {  	v3 =	vadd.s32 v1, v3  }
0x35: {  	[tilespmem:s14], [sflag:$0x1] =	stream.indirect_vreg.gather [hbm4b:s4+s2], $0x80, v4, vm0, $0xb8;
	[tilespmem:$0xC080] =	vst v63  }
0x36: {  	_ = 	snop  }
0x37: {  	[tilespmem:s15], [sflag:$0x1] =	stream.indirect_vreg.gather [hbm4b:s5+s2], $0x80, v4, vm0, $0xb8;
	[tilespmem:$0xC080] =	vst v63  }
0x38: {  	_ = 	snop  }
0x39: {  	[tilespmem:s16], [sflag:$0x1] =	stream.indirect_vreg.gather [hbm4b:s3+s2], $0x80, v3, vm0, $0xb8;
	[tilespmem:$0xC080] =	vst v63  }
0x3a: {  	_ = 	snop  }
0x3b: {  	[tilespmem:s17], [sflag:$0x1] =	stream.indirect_vreg.gather [hbm4b:s4+s2], $0x80, v3, vm0, $0xb8;
	[tilespmem:$0xC080] =	vst v63  }
0x3c: {  	_ = 	snop  }
0x3d: {  	[tilespmem:s18], [sflag:$0x1] =	stream.indirect_vreg.gather [hbm4b:s5+s2], $0x80, v3, vm0, $0xb8;
	[tilespmem:$0xC080] =	vst v63  }
0x3e: {  	v3 =	vld [tilespmem:$0x20];
	_ =	sdelay $0x4  }
0x3f: {  	v62 =	vshrl.u32 v3, $0x3  }
0x40: {  	v4 =	vmul.u32 $0x30, v62  }
0x41: {  	v3 =	vand.u32 $0x7, v3  }
0x42: {  	v3 =	vor.u32 v3, v4  }
0x43: {  	v4 =	vperm.xlane v3, v0;
	_ =	sdelay $0x1  }
0x44: {  	v4 =	vadd.s32 v1, v4;
	_ =	sdelay $0x3  }
0x45: {  	v3 =	vperm.xlane v3, v2  }
0x46: {  	[tilespmem:s19], [sflag:$0x1] =	stream.indirect_vreg.gather [hbm4b:s3+s2], $0x80, v4, vm0, $0xb8;
	[tilespmem:$0xC080] =	vst v63  }
0x47: {  	v3 =	vadd.s32 v1, v3  }
0x48: {  	[tilespmem:s20], [sflag:$0x1] =	stream.indirect_vreg.gather [hbm4b:s4+s2], $0x80, v4, vm0, $0xb8;
	[tilespmem:$0xC080] =	vst v63  }
0x49: {  	_ = 	snop  }
0x4a: {  	[tilespmem:s21], [sflag:$0x1] =	stream.indirect_vreg.gather [hbm4b:s5+s2], $0x80, v4, vm0, $0xb8;
	[tilespmem:$0xC080] =	vst v63  }
0x4b: {  	_ = 	snop  }
0x4c: {  	[tilespmem:s22], [sflag:$0x1] =	stream.indirect_vreg.gather [hbm4b:s3+s2], $0x80, v3, vm0, $0xb8;
	[tilespmem:$0xC080] =	vst v63  }
0x4d: {  	_ = 	snop  }
0x4e: {  	[tilespmem:s23], [sflag:$0x1] =	stream.indirect_vreg.gather [hbm4b:s4+s2], $0x80, v3, vm0, $0xb8;
	[tilespmem:$0xC080] =	vst v63  }
0x4f: {  	_ = 	snop  }
0x50: {  	[tilespmem:s24], [sflag:$0x1] =	stream.indirect_vreg.gather [hbm4b:s5+s2], $0x80, v3, vm0, $0xb8;
	[tilespmem:$0xC080] =	vst v63  }
0x51: {  	v3 =	vld [tilespmem:$0x30];
	_ =	sdelay $0x4  }
0x52: {  	v63 =	vshrl.u32 v3, $0x3  }
0x53: {  	v4 =	vmul.u32 $0x30, v63  }
0x54: {  	v3 =	vand.u32 $0x7, v3  }
0x55: {  	v3 =	vor.u32 v3, v4  }
0x56: {  	v4 =	vperm.xlane v3, v0;
	_ =	sdelay $0x1  }
0x57: {  	v4 =	vadd.s32 v1, v4;
	_ =	sdelay $0x3  }
0x58: {  	v3 =	vperm.xlane v3, v2  }
0x59: {  	[tilespmem:s25], [sflag:$0x1] =	stream.indirect_vreg.gather [hbm4b:s3+s2], $0x80, v4, vm0, $0xb8;
	[tilespmem:$0xC080] =	vst v63  }
0x5a: {  	v3 =	vadd.s32 v1, v3  }
0x5b: {  	[tilespmem:s26], [sflag:$0x1] =	stream.indirect_vreg.gather [hbm4b:s4+s2], $0x80, v4, vm0, $0xb8;
	[tilespmem:$0xC080] =	vst v63  }
0x5c: {  	_ = 	snop  }
0x5d: {  	[tilespmem:s28], [sflag:$0x1] =	stream.indirect_vreg.gather [hbm4b:s5+s2], $0x80, v4, vm0, $0xb8;
	[tilespmem:$0xC080] =	vst v63  }
0x5e: {  	_ = 	snop  }
0x5f: {  	[tilespmem:s29], [sflag:$0x1] =	stream.indirect_vreg.gather [hbm4b:s3+s2], $0x80, v3, vm0, $0xb8;
	[tilespmem:$0xC080] =	vst v63  }
0x60: {  	_ = 	snop  }
0x61: {  	[tilespmem:s30], [sflag:$0x1] =	stream.indirect_vreg.gather [hbm4b:s4+s2], $0x80, v3, vm0, $0xb8;
	[tilespmem:$0xC080] =	vst v63  }
0x62: {  	_ = 	snop  }
0x63: {  	[tilespmem:s31], [sflag:$0x1] =	stream.indirect_vreg.gather [hbm4b:s5+s2], $0x80, v3, vm0, $0xb8;
	[tilespmem:$0xC080] =	vst v63  }
0x64: {  	_ =	swait.ge [sflag:s0], $0xC000  }
0x65: {  	p0 =	sne.s32 s6, $0x1;
	[sflag:s0] =	ssyncset.done $0x0  }
.Ltmp0:
0x66: {  	s1 =	rddreg [dreg:$0x4];
	[sflag:s0] =	ssyncadd.s32 $0xFFFF4000;
	(pc) =	sbr.rel @p0 .LBB2_1-.Ltmp0, $4  }
0x67: {  	[hbm4b:s1+s2] =	stream.linear.scatter [tilespmem:s8], [sflag:$0x2], $0xC000, $0x38;
	[tilespmem:$0xC080] =	vst v63  }
0x68: {  	_ =	swait.ge [sflag:s7], $0xC000  }
0x69: {  	[sflag:s7] =	ssyncset.done $0x0  }
0x6a: {  	s6 =	sadd.s32 $0xFFFFFFFF, s6;
	[sflag:s7] =	ssyncadd.s32 $0xFFFF4000  }
0x6b: {  	_ =	sfence.sel $0x180000  }
0x6c: {  	[bflag:$0x0] =	sbarrier.arrive $0xFFFF  }
0x6d: {  	_ =	strace $0x9000004A  }
0x6e: {  	s0 =	stileid.u32;
	[bflag:$0x2] =	sbarrier.arrive $0xFFFF  }
0x6f: {  	p0 =	sne.s32 s0, $0x0;
	s0 =	rddreg [dreg:$0x2]  }
0x70: {  	s0 =	sadd.s32 @!p0 $0x100000, s0  }
0x71: {  	[sflag:s0] =	ssyncadd.tile.s32 @!p0 $0x1;
	_ =	shalt  }
.Lfunc_end2:
_tile_overlayer_lowered:
.L_overlay_start_2:
0x72: {  	(tag) =	ssettag $0x2  }
0x73: {  	s0 =	rddreg [dreg:$0x0];
	s2 =	stileid.u32  }
0x74: {  	s1 =	rddreg [dreg:$0x1];
	p0 =	sne.s32 s2, $0x0  }
0x75: {  	s3 =	rddreg [dreg:$0x2];
	[bflag:$0x3] =	sbarrier.arrive $0xFFFF;
	s2 =	simm.s32 @!p0 $0x1C02  }
0x76: {  	[timem:s3], [sflag:s2] =	dma.local @!p0 [hbm:s0], s1  }
0x77: {  	s0 =	simm.s32 @!p0 $0x2  }
0x78: {  	_ =	swait.ge @!p0 [sflag:s0], s1  }
0x79: {  	s1 =	ssub.s32 @!p0 $0x0, s1;
	[sflag:s0] =	ssyncset.done @!p0 $0x0  }
0x7a: {  	[sflag:s0] =	ssyncadd.s32 @!p0 s1  }
0x7b: {  	[bflag:$0x3] =	sbarrier.arrive $0xFFFF  }
0x7c: {  	_ =	shalt  }

</sc_bundles>
